<compile_context>
chip_gen: v7x
topology: tpu7x:2x2x1
jax: 0.10.2.dev20260603
libtpu: 0.0.44.dev20260713+nightly
codegen_flags: <defaults>
</compile_context>

<pallas_src>
import math

import jax
import jax.numpy as jnp
import numpy as np
from jax import lax
from jax.experimental import pallas as pl
from jax.experimental.pallas import tpu as pltpu
from jax.experimental.pallas import tpu_sc as plsc

B = 16384
L = 10
D = 64
DP = 128
NC = 2
NS = 16
NW = NC * NS
PPW = B // NW
CH = 16
NCHUNK = PPW // CH
NR = L - 1
REL_PAD_ROW = 256


def _pos_enc() -> np.ndarray:
    pe = np.zeros((L, D), dtype=np.float32)
    position = np.arange(0, L, dtype=np.float32)[:, None]
    div_term = np.exp(np.arange(0, D, 2).astype(np.float32) * (-math.log(10000.0) / D))
    pe[:, 0::2] = np.sin(position * div_term)
    pe[:, 1::2] = np.cos(position * div_term)
    return pe



_NIDX = CH * L
_RIDX = CH * NR


def _idx_slices(total):
    out = []
    off = 0
    while off < total:
        n = min(128, total - off)
        out.append((off, n))
        off += n
    return out


def _sc_body(paths_hbm, rels_hbm, pshift_hbm, node_hbm, relpad_hbm, out_hbm,
             pvw, rvw, svw, nra, nrb, rra, rrb, oba, obb,
             sga, sgb, soa, sob):
    nrows2 = (nra, nrb)
    rrows2 = (rra, rrb)
    obuf2 = (oba, obb)
    semg = (sga, sgb)
    semo = (soa, sob)
    c = lax.axis_index("c")
    s = lax.axis_index("s")
    wid = s * NC + c
    wbase = wid * PPW

    pltpu.sync_copy(paths_hbm.at[pl.ds(wbase * L, PPW * L)], pvw)
    pltpu.sync_copy(rels_hbm.at[pl.ds(wbase * NR, PPW * NR)], rvw)
    pltpu.sync_copy(pshift_hbm.at[pl.ds(wbase * NR, PPW * NR)], svw)

    def redirect(i, carry2):
        sl = pl.ds(i * 16, 16)
        rvw[sl] = jnp.where(svw[sl] != 0, rvw[sl], REL_PAD_ROW)
        return carry2

    lax.fori_loop(0, PPW * NR // 16, redirect, 0)

    def stage(k, b):
        for off, n in _idx_slices(_NIDX):
            ioff = pl.multiple_of(k * _NIDX + off, 8)
            pltpu.async_copy(node_hbm.at[pvw.at[pl.ds(ioff, n)]],
                             nrows2[b].at[pl.ds(off, n)], semg[b])
        for off, n in _idx_slices(_RIDX):
            ioff = pl.multiple_of(k * _RIDX + off, 8)
            pltpu.async_copy(relpad_hbm.at[rvw.at[pl.ds(ioff, n)]],
                             rrows2[b].at[pl.ds(off, n)], semg[b])

    def wait_gathers(k, b):
        for off, n in _idx_slices(_NIDX):
            ioff = pl.multiple_of(k * _NIDX + off, 8)
            pltpu.make_async_copy(node_hbm.at[pvw.at[pl.ds(ioff, n)]],
                                  nrows2[b].at[pl.ds(off, n)], semg[b]).wait()
        for off, n in _idx_slices(_RIDX):
            ioff = pl.multiple_of(k * _RIDX + off, 8)
            pltpu.make_async_copy(relpad_hbm.at[rvw.at[pl.ds(ioff, n)]],
                                  rrows2[b].at[pl.ds(off, n)], semg[b]).wait()

    def out_rows(k):
        return pl.ds(pl.multiple_of(wbase + k * CH, CH), CH)

    def acc_and_flush(k, b):
        nrows, rrows, obuf = nrows2[b], rrows2[b], obuf2[b]

        def acc_path(p, carry2):
            bn = p * L
            br = p * NR
            for q in range(D // 16):
                sl = pl.ds(q * 16, 16)
                a = nrows[bn, sl]
                for l in range(1, L):
                    a = a + nrows[bn + l, sl]
                for j in range(NR):
                    a = a + rrows[br + j, sl]
                obuf[p, sl] = a
            return carry2

        lax.fori_loop(0, CH, acc_path, 0)
        pltpu.async_copy(obuf, out_hbm.at[out_rows(k)], semo[b])

    def wait_flush(k, b):
        pltpu.make_async_copy(obuf2[b], out_hbm.at[out_rows(k)], semo[b]).wait()

    stage(0, 0)

    def pairbody(i, carry):
        k0 = i * 2
        k1 = k0 + 1
        stage(k1, 1)
        wait_gathers(k0, 0)

        @pl.when(i > 0)
        def _():
            wait_flush(k0 - 2, 0)

        acc_and_flush(k0, 0)

        @pl.when(i < NCHUNK // 2 - 1)
        def _():
            stage(k0 + 2, 0)

        wait_gathers(k1, 1)

        @pl.when(i > 0)
        def _():
            wait_flush(k1 - 2, 1)

        acc_and_flush(k1, 1)
        return carry

    lax.fori_loop(0, NCHUNK // 2, pairbody, 0)
    wait_flush(NCHUNK - 2, 0)
    wait_flush(NCHUNK - 1, 1)


@jax.jit
def _sc_sums(paths_f, rels_f, pshift_f, node128, relpad128):
    mesh = plsc.VectorSubcoreMesh(core_axis_name="c", subcore_axis_name="s")
    f = pl.kernel(
        _sc_body,
        out_type=jax.ShapeDtypeStruct((B, D), jnp.float32),
        mesh=mesh,
        scratch_types=(
            [pltpu.VMEM((PPW * L,), jnp.int32)]
            + [pltpu.VMEM((PPW * NR,), jnp.int32)] * 2
            + [pltpu.VMEM((_NIDX, DP), jnp.float32)] * 2
            + [pltpu.VMEM((_RIDX, DP), jnp.float32)] * 2
            + [pltpu.VMEM((CH, D), jnp.float32)] * 2
            + [pltpu.SemaphoreType.DMA] * 4
        ),
        compiler_params=pltpu.CompilerParams(use_tc_tiling_on_sc=True),
    )
    return f(paths_f, rels_f, pshift_f, node128, relpad128)



def _tc_body(sums_ref, paths_ref, row0_ref, pe_ref, w1_ref, b1_ref,
             w2_ref, b2_ref, out_ref):
    maskf = (paths_ref[...] != 0).astype(jnp.float32)
    dsum = jnp.sum(maskf, axis=1, keepdims=True)
    denom = jnp.maximum(dsum, 1.0)
    cnt0 = jnp.float32(L) - dsum
    pe_pool = jnp.dot(maskf, pe_ref[...], preferred_element_type=jnp.float32)
    pooled = (sums_ref[...] + pe_pool - cnt0 * row0_ref[...]) / denom
    h = jnp.maximum(
        jnp.dot(pooled, w1_ref[...], preferred_element_type=jnp.float32)
        + b1_ref[...], 0.0)
    out_ref[...] = (
        jnp.dot(h, w2_ref[...], preferred_element_type=jnp.float32)
        + b2_ref[...])


@jax.jit
def _tc_mlp(sums, paths_pad, row0, pe_pad, W1, b1, W2, b2):
    blk = 512
    grid = B // blk
    return pl.pallas_call(
        _tc_body,
        grid=(grid,),
        in_specs=[
            pl.BlockSpec((blk, D), lambda i: (i, 0)),
            pl.BlockSpec((blk, 16), lambda i: (i, 0)),
            pl.BlockSpec((1, D), lambda i: (0, 0)),
            pl.BlockSpec((16, D), lambda i: (0, 0)),
            pl.BlockSpec((D, D), lambda i: (0, 0)),
            pl.BlockSpec((1, D), lambda i: (0, 0)),
            pl.BlockSpec((D, D), lambda i: (0, 0)),
            pl.BlockSpec((1, D), lambda i: (0, 0)),
        ],
        out_specs=pl.BlockSpec((blk, D), lambda i: (i, 0)),
        out_shape=jax.ShapeDtypeStruct((B, D), jnp.float32),
    )(sums, paths_pad, row0, pe_pad, W1, b1, W2, b2)


def kernel(paths, rels, node_table, rel_table, W1, b1, W2, b2):
    paths = paths.astype(jnp.int32)
    rels = rels.astype(jnp.int32)
    paths_f = paths.reshape(B * L)
    rels_f = rels.reshape(B * NR)
    pshift_f = paths[:, 1:].reshape(B * NR)
    node128 = jnp.concatenate(
        [node_table, jnp.zeros((node_table.shape[0], DP - D),
                               dtype=node_table.dtype)], axis=1)
    relpad128 = jnp.pad(rel_table, ((0, 8), (0, DP - D)))
    sums = _sc_sums(paths_f, rels_f, pshift_f, node128, relpad128)

    paths_pad = jnp.concatenate(
        [paths, jnp.zeros((B, 16 - L), dtype=jnp.int32)], axis=1)
    pe_pad = jnp.asarray(np.pad(_pos_enc(), ((0, 16 - L), (0, 0))))
    return _tc_mlp(sums, paths_pad, node_table[0:1], pe_pad,
                   W1, b1.reshape(1, D), W2, b2.reshape(1, D))

# --- scband reference (transcript-rebuilt; emitter-appended) ---
"""Pipeline reference for scband-path-encoder-45595372814353 (READ-ONLY COPY).

The authoritative reference and input builder live on the scoring server;
editing this copy changes nothing except your own understanding.
"""

import jax, jax.numpy as jnp
import numpy as np
import math

VOCAB = 1000000
REL_VOCAB = 256
D = 64
B = 16384
L = 10
MAX_PATH_LEN = 10


def _pos_enc():
    pe = np.zeros((MAX_PATH_LEN, D), dtype=np.float32)
    position = np.arange(0, MAX_PATH_LEN, dtype=np.float32)[:, None]
    div_term = np.exp(np.arange(0, D, 2).astype(np.float32) * (-math.log(10000.0) / D))
    pe[:, 0::2] = np.sin(position * div_term)
    pe[:, 1::2] = np.cos(position * div_term)
    return jnp.asarray(pe)


def setup_inputs(seed: int = 0) -> dict:
    key = jax.random.key(seed)
    ks = jax.random.split(key, 8)
    paths = jax.random.randint(ks[0], (B, L), 0, VOCAB)
    rels = jax.random.randint(ks[1], (B, L - 1), 0, REL_VOCAB)
    node_table = jax.random.normal(ks[2], (VOCAB, D), dtype=jnp.float32) * 0.02
    rel_table = jax.random.normal(ks[3], (REL_VOCAB, D), dtype=jnp.float32) * 0.02
    W1 = jax.random.normal(ks[4], (D, D), dtype=jnp.float32) * 0.05
    b1 = jnp.zeros((D,), dtype=jnp.float32)
    W2 = jax.random.normal(ks[5], (D, D), dtype=jnp.float32) * 0.05
    b2 = jnp.zeros((D,), dtype=jnp.float32)
    return {"paths": paths, "rels": rels, "node_table": node_table, "rel_table": rel_table,
            "W1": W1, "b1": b1, "W2": W2, "b2": b2}


def reference(paths, rels, node_table, rel_table, W1, b1, W2, b2):
    pe = _pos_enc()
    seq_len = paths.shape[1]
    # embedding lookup (gather) + positional encoding
    node_emb = jnp.take(node_table, paths, axis=0) + pe[None, :seq_len, :]
    # relation embedding lookup, padded with zeros at position 0
    rel_emb = jnp.take(rel_table, rels, axis=0)
    rel_pad = jnp.zeros((paths.shape[0], 1, node_table.shape[1]), dtype=node_emb.dtype)
    rel_full = jnp.concatenate([rel_pad, rel_emb], axis=1)
    node_emb = node_emb + rel_full
    # masked mean pooling (mask out padding index 0)
    mask = (paths != 0).astype(jnp.float32)[..., None]
    summed = (node_emb * mask).sum(axis=1)
    denom = jnp.clip(mask.sum(axis=1), 1.0, None)
    pooled = summed / denom
    # projection MLP
    h = jax.nn.relu(pooled @ W1 + b1)
    latents = h @ W2 + b2
    return latents

if __name__ == "__main__":
    import jax
    _d = setup_inputs()
    print(jax.jit(kernel)(*tuple(_d.values())))

</pallas_src>

<mosaic_0001>
#map = affine_map<(d0, d1) -> (0)>
#map1 = affine_map<(d0, d1) -> (0, 0)>
module attributes {stable_mosaic.version = 14 : i64} {
  func.func @_sc_body(%arg0: i32, %arg1: i32, %arg2: memref<163840xi32, #tpu.memory_space<hbm>>, %arg3: memref<147456xi32, #tpu.memory_space<hbm>>, %arg4: memref<147456xi32, #tpu.memory_space<hbm>>, %arg5: memref<1000000x128xf32, #tpu.memory_space<hbm>>, %arg6: memref<264x128xf32, #tpu.memory_space<hbm>>, %arg7: memref<16384x64xf32, #tpu.memory_space<hbm>>, %arg8: memref<5120xi32, #tpu.memory_space<vmem>>, %arg9: memref<4608xi32, #tpu.memory_space<vmem>>, %arg10: memref<4608xi32, #tpu.memory_space<vmem>>, %arg11: memref<160x128xf32, #tpu.memory_space<vmem>>, %arg12: memref<160x128xf32, #tpu.memory_space<vmem>>, %arg13: memref<144x128xf32, #tpu.memory_space<vmem>>, %arg14: memref<144x128xf32, #tpu.memory_space<vmem>>, %arg15: memref<16x64xf32, #tpu.memory_space<vmem>>, %arg16: memref<16x64xf32, #tpu.memory_space<vmem>>, %arg17: memref<!tpu.dma_semaphore, #tpu.memory_space<semaphore_mem>>, %arg18: memref<!tpu.dma_semaphore, #tpu.memory_space<semaphore_mem>>, %arg19: memref<!tpu.dma_semaphore, #tpu.memory_space<semaphore_mem>>, %arg20: memref<!tpu.dma_semaphore, #tpu.memory_space<semaphore_mem>>) attributes {dimension_semantics = [#tpu.dimension_semantics<core_parallel>, #tpu.dimension_semantics<subcore_parallel>], iteration_bounds = array<i64: 2, 16>, scalar_prefetch = 0 : i64, scratch_operands = 13 : i64, tpu.core_type = #tpu.core_type<sc_vector_subcore>, window_params = [{transform_indices = #map}, {transform_indices = #map}, {transform_indices = #map}, {transform_indices = #map1}, {transform_indices = #map1}, {transform_indices = #map1}]} {
    %mul3A = arith.constant 2 : i32
    %mul3A_0 = arith.muli %arg1, %mul3A : i32
    %add3A = arith.addi %mul3A_0, %arg0 : i32
    %mul3A_1 = arith.constant 512 : i32
    %mul3A_2 = arith.muli %add3A, %mul3A_1 : i32
    %mul3A_3 = arith.constant 10 : i32
    %mul3A_4 = arith.muli %mul3A_2, %mul3A_3 : i32
    "tpu.region"() ({
      %run_scoped3A = tpu.sem_alloc : memref<!tpu.dma_semaphore, #tpu.memory_space<semaphore_mem>>
      %dma_start3A_67 = tpu.memref_slice %arg2[%mul3A_4] : memref<163840xi32, #tpu.memory_space<hbm>> -> memref<5120xi32, #tpu.memory_space<hbm>>
      %dma_start3A_68 = tpu.memref_slice %arg2[%mul3A_4] : memref<163840xi32, #tpu.memory_space<hbm>> -> memref<5120xi32, #tpu.memory_space<hbm>>
      tpu.enqueue_dma source(%dma_start3A_68 : memref<5120xi32, #tpu.memory_space<hbm>>) target(%arg8 : memref<5120xi32, #tpu.memory_space<vmem>>) target_semaphore(%run_scoped3A : memref<!tpu.dma_semaphore, #tpu.memory_space<semaphore_mem>>)
      %dma_wait3A_69 = tpu.memref_slice %arg2[%mul3A_4] : memref<163840xi32, #tpu.memory_space<hbm>> -> memref<5120xi32, #tpu.memory_space<hbm>>
      %dma_wait3A_70 = tpu.memref_slice %arg2[%mul3A_4] : memref<163840xi32, #tpu.memory_space<hbm>> -> memref<5120xi32, #tpu.memory_space<hbm>>
      tpu.wait_dma2 semaphore(%run_scoped3A : memref<!tpu.dma_semaphore, #tpu.memory_space<semaphore_mem>>) src(%dma_wait3A_70 : memref<5120xi32, #tpu.memory_space<hbm>>) dst(%arg8 : memref<5120xi32, #tpu.memory_space<vmem>>)
      tpu.yield
    }) : () -> ()
    %mul3A_5 = arith.constant 9 : i32
    %mul3A_6 = arith.muli %mul3A_2, %mul3A_5 : i32
    "tpu.region"() ({
      %run_scoped3A = tpu.sem_alloc : memref<!tpu.dma_semaphore, #tpu.memory_space<semaphore_mem>>
      %dma_start3A_67 = tpu.memref_slice %arg3[%mul3A_6] : memref<147456xi32, #tpu.memory_space<hbm>> -> memref<4608xi32, #tpu.memory_space<hbm>>
      %dma_start3A_68 = tpu.memref_slice %arg3[%mul3A_6] : memref<147456xi32, #tpu.memory_space<hbm>> -> memref<4608xi32, #tpu.memory_space<hbm>>
      tpu.enqueue_dma source(%dma_start3A_68 : memref<4608xi32, #tpu.memory_space<hbm>>) target(%arg9 : memref<4608xi32, #tpu.memory_space<vmem>>) target_semaphore(%run_scoped3A : memref<!tpu.dma_semaphore, #tpu.memory_space<semaphore_mem>>)
      %dma_wait3A_69 = tpu.memref_slice %arg3[%mul3A_6] : memref<147456xi32, #tpu.memory_space<hbm>> -> memref<4608xi32, #tpu.memory_space<hbm>>
      %dma_wait3A_70 = tpu.memref_slice %arg3[%mul3A_6] : memref<147456xi32, #tpu.memory_space<hbm>> -> memref<4608xi32, #tpu.memory_space<hbm>>
      tpu.wait_dma2 semaphore(%run_scoped3A : memref<!tpu.dma_semaphore, #tpu.memory_space<semaphore_mem>>) src(%dma_wait3A_70 : memref<4608xi32, #tpu.memory_space<hbm>>) dst(%arg9 : memref<4608xi32, #tpu.memory_space<vmem>>)
      tpu.yield
    }) : () -> ()
    %mul3A_7 = arith.constant 9 : i32
    %mul3A_8 = arith.muli %mul3A_2, %mul3A_7 : i32
    "tpu.region"() ({
      %run_scoped3A = tpu.sem_alloc : memref<!tpu.dma_semaphore, #tpu.memory_space<semaphore_mem>>
      %dma_start3A_67 = tpu.memref_slice %arg4[%mul3A_8] : memref<147456xi32, #tpu.memory_space<hbm>> -> memref<4608xi32, #tpu.memory_space<hbm>>
      %dma_start3A_68 = tpu.memref_slice %arg4[%mul3A_8] : memref<147456xi32, #tpu.memory_space<hbm>> -> memref<4608xi32, #tpu.memory_space<hbm>>
      tpu.enqueue_dma source(%dma_start3A_68 : memref<4608xi32, #tpu.memory_space<hbm>>) target(%arg10 : memref<4608xi32, #tpu.memory_space<vmem>>) target_semaphore(%run_scoped3A : memref<!tpu.dma_semaphore, #tpu.memory_space<semaphore_mem>>)
      %dma_wait3A_69 = tpu.memref_slice %arg4[%mul3A_8] : memref<147456xi32, #tpu.memory_space<hbm>> -> memref<4608xi32, #tpu.memory_space<hbm>>
      %dma_wait3A_70 = tpu.memref_slice %arg4[%mul3A_8] : memref<147456xi32, #tpu.memory_space<hbm>> -> memref<4608xi32, #tpu.memory_space<hbm>>
      tpu.wait_dma2 semaphore(%run_scoped3A : memref<!tpu.dma_semaphore, #tpu.memory_space<semaphore_mem>>) src(%dma_wait3A_70 : memref<4608xi32, #tpu.memory_space<hbm>>) dst(%arg10 : memref<4608xi32, #tpu.memory_space<vmem>>)
      tpu.yield
    }) : () -> ()
    %scan3A = arith.constant 0 : i32
    %scan3A_9 = arith.constant 0 : i32
    %scan3A_10 = arith.constant 288 : i32
    %scan3A_11 = arith.addi %scan3A_9, %scan3A_10 : i32
    %scan3A_12 = arith.constant 1 : i32
    scf.for %scan3A_67 = %scan3A_9 to %scan3A_11 step %scan3A_12  : i32 {
      %mul3A_68 = arith.constant 16 : i32
      %mul3A_69 = arith.muli %scan3A_67, %mul3A_68 : i32
      %get3A = arith.index_cast %mul3A_69 : i32 to index
      %get3A_70 = tpu.vector_load %arg10[%get3A] {strides = array<i32>} : memref<4608xi32, #tpu.memory_space<vmem>>, vector<16xi32>,
      %get3A_71 = vector.shape_cast %get3A_70 : vector<16xi32> to vector<16xi32>
      %ne3A = arith.constant 0 : i32
      %ne3A_72 = vector.broadcast %ne3A : i32 to vector<16xi32>
      %ne3A_73 = arith.cmpi ne, %get3A_71, %ne3A_72 : vector<16xi32>
      %get3A_74 = arith.index_cast %mul3A_69 : i32 to index
      %get3A_75 = tpu.vector_load %arg9[%get3A_74] {strides = array<i32>} : memref<4608xi32, #tpu.memory_space<vmem>>, vector<16xi32>,
      %get3A_76 = vector.shape_cast %get3A_75 : vector<16xi32> to vector<16xi32>
      %jit3A = arith.constant 256 : i32
      %broadcast_in_dim3A = vector.broadcast %jit3A : i32 to vector<16xi32>
      %select_n3A = arith.select %ne3A_73, %get3A_76, %broadcast_in_dim3A : vector<16xi1>, vector<16xi32>
      %swap3A = arith.index_cast %mul3A_69 : i32 to index
      %swap3A_77 = tpu.vector_load %arg9[%swap3A] {strides = array<i32>} : memref<4608xi32, #tpu.memory_space<vmem>>, vector<16xi32>,
      %swap3A_78 = vector.shape_cast %swap3A_77 : vector<16xi32> to vector<16xi32>
      %swap3A_79 = vector.shape_cast %select_n3A : vector<16xi32> to vector<16xi32>
      tpu.vector_store %arg9[%swap3A], %swap3A_79 {strides = array<i32>} : memref<4608xi32, #tpu.memory_space<vmem>>, vector<16xi32>,
    }
    %scan3A_13 = arith.constant 288 : i32
    %multiple_of3A = arith.constant 0 : i32
    %multiple_of3A_14 = tpu.assume_multiple %multiple_of3A, 8 : i32
    %dma_start3A = arith.constant 0 : i32
    %dma_start3A_15 = arith.constant 0 : i32
    %dma_start3A_16 = tpu.memref_slice %arg11[%dma_start3A, %dma_start3A_15] : memref<160x128xf32, #tpu.memory_space<vmem>> -> memref<128x128xf32, #tpu.memory_space<vmem>>
    %dma_start3A_17 = tpu.memref_slice %arg8[%multiple_of3A_14] : memref<5120xi32, #tpu.memory_space<vmem>> -> memref<128xi32, #tpu.memory_space<vmem>>
    %dma_start3A_18 = arith.constant 0 : i32
    %dma_start3A_19 = arith.constant 0 : i32
    %dma_start3A_20 = tpu.memref_slice %arg5[%dma_start3A_18, %dma_start3A_19] : memref<1000000x128xf32, #tpu.memory_space<hbm>> -> memref<1000000x128xf32, #tpu.memory_space<hbm>>
    tpu.enqueue_indirect_dma source(%dma_start3A_20 : memref<1000000x128xf32, #tpu.memory_space<hbm>>) target(%dma_start3A_16 : memref<128x128xf32, #tpu.memory_space<vmem>>) offsets(%dma_start3A_17 : memref<128xi32, #tpu.memory_space<vmem>>) semaphore(%arg17 : memref<!tpu.dma_semaphore, #tpu.memory_space<semaphore_mem>>)
    %multiple_of3A_21 = arith.constant 128 : i32
    %multiple_of3A_22 = tpu.assume_multiple %multiple_of3A_21, 8 : i32
    %dma_start3A_23 = arith.constant 128 : i32
    %dma_start3A_24 = arith.constant 0 : i32
    %dma_start3A_25 = tpu.memref_slice %arg11[%dma_start3A_23, %dma_start3A_24] : memref<160x128xf32, #tpu.memory_space<vmem>> -> memref<32x128xf32, #tpu.memory_space<vmem>>
    %dma_start3A_26 = tpu.memref_slice %arg8[%multiple_of3A_22] : memref<5120xi32, #tpu.memory_space<vmem>> -> memref<32xi32, #tpu.memory_space<vmem>>
    %dma_start3A_27 = arith.constant 0 : i32
    %dma_start3A_28 = arith.constant 0 : i32
    %dma_start3A_29 = tpu.memref_slice %arg5[%dma_start3A_27, %dma_start3A_28] : memref<1000000x128xf32, #tpu.memory_space<hbm>> -> memref<1000000x128xf32, #tpu.memory_space<hbm>>
    tpu.enqueue_indirect_dma source(%dma_start3A_29 : memref<1000000x128xf32, #tpu.memory_space<hbm>>) target(%dma_start3A_25 : memref<32x128xf32, #tpu.memory_space<vmem>>) offsets(%dma_start3A_26 : memref<32xi32, #tpu.memory_space<vmem>>) semaphore(%arg17 : memref<!tpu.dma_semaphore, #tpu.memory_space<semaphore_mem>>)
    %multiple_of3A_30 = arith.constant 0 : i32
    %multiple_of3A_31 = tpu.assume_multiple %multiple_of3A_30, 8 : i32
    %dma_start3A_32 = arith.constant 0 : i32
    %dma_start3A_33 = arith.constant 0 : i32
    %dma_start3A_34 = tpu.memref_slice %arg13[%dma_start3A_32, %dma_start3A_33] : memref<144x128xf32, #tpu.memory_space<vmem>> -> memref<128x128xf32, #tpu.memory_space<vmem>>
    %dma_start3A_35 = tpu.memref_slice %arg9[%multiple_of3A_31] : memref<4608xi32, #tpu.memory_space<vmem>> -> memref<128xi32, #tpu.memory_space<vmem>>
    %dma_start3A_36 = arith.constant 0 : i32
    %dma_start3A_37 = arith.constant 0 : i32
    %dma_start3A_38 = tpu.memref_slice %arg6[%dma_start3A_36, %dma_start3A_37] : memref<264x128xf32, #tpu.memory_space<hbm>> -> memref<264x128xf32, #tpu.memory_space<hbm>>
    tpu.enqueue_indirect_dma source(%dma_start3A_38 : memref<264x128xf32, #tpu.memory_space<hbm>>) target(%dma_start3A_34 : memref<128x128xf32, #tpu.memory_space<vmem>>) offsets(%dma_start3A_35 : memref<128xi32, #tpu.memory_space<vmem>>) semaphore(%arg17 : memref<!tpu.dma_semaphore, #tpu.memory_space<semaphore_mem>>)
    %multiple_of3A_39 = arith.constant 128 : i32
    %multiple_of3A_40 = tpu.assume_multiple %multiple_of3A_39, 8 : i32
    %dma_start3A_41 = arith.constant 128 : i32
    %dma_start3A_42 = arith.constant 0 : i32
    %dma_start3A_43 = tpu.memref_slice %arg13[%dma_start3A_41, %dma_start3A_42] : memref<144x128xf32, #tpu.memory_space<vmem>> -> memref<16x128xf32, #tpu.memory_space<vmem>>
    %dma_start3A_44 = tpu.memref_slice %arg9[%multiple_of3A_40] : memref<4608xi32, #tpu.memory_space<vmem>> -> memref<16xi32, #tpu.memory_space<vmem>>
    %dma_start3A_45 = arith.constant 0 : i32
    %dma_start3A_46 = arith.constant 0 : i32
    %dma_start3A_47 = tpu.memref_slice %arg6[%dma_start3A_45, %dma_start3A_46] : memref<264x128xf32, #tpu.memory_space<hbm>> -> memref<264x128xf32, #tpu.memory_space<hbm>>
    tpu.enqueue_indirect_dma source(%dma_start3A_47 : memref<264x128xf32, #tpu.memory_space<hbm>>) target(%dma_start3A_43 : memref<16x128xf32, #tpu.memory_space<vmem>>) offsets(%dma_start3A_44 : memref<16xi32, #tpu.memory_space<vmem>>) semaphore(%arg17 : memref<!tpu.dma_semaphore, #tpu.memory_space<semaphore_mem>>)
    %scan3A_48 = arith.constant 0 : i32
    %scan3A_49 = arith.constant 0 : i32
    %scan3A_50 = arith.constant 16 : i32
    %scan3A_51 = arith.addi %scan3A_49, %scan3A_50 : i32
    %scan3A_52 = arith.constant 1 : i32
    scf.for %scan3A_67 = %scan3A_49 to %scan3A_51 step %scan3A_52  : i32 {
      %mul3A_68 = arith.constant 2 : i32
      %mul3A_69 = arith.muli %scan3A_67, %mul3A_68 : i32
      %add3A_70 = arith.constant 1 : i32
      %add3A_71 = arith.addi %mul3A_69, %add3A_70 : i32
      %mul3A_72 = arith.constant 160 : i32
      %mul3A_73 = arith.muli %add3A_71, %mul3A_72 : i32
      %add3A_74 = arith.constant 0 : i32
      %add3A_75 = arith.addi %mul3A_73, %add3A_74 : i32
      %multiple_of3A_76 = tpu.assume_multiple %add3A_75, 8 : i32
      %dma_start3A_77 = arith.constant 0 : i32
      %dma_start3A_78 = arith.constant 0 : i32
      %dma_start3A_79 = tpu.memref_slice %arg12[%dma_start3A_77, %dma_start3A_78] : memref<160x128xf32, #tpu.memory_space<vmem>> -> memref<128x128xf32, #tpu.memory_space<vmem>>
      %dma_start3A_80 = tpu.memref_slice %arg8[%multiple_of3A_76] : memref<5120xi32, #tpu.memory_space<vmem>> -> memref<128xi32, #tpu.memory_space<vmem>>
      %dma_start3A_81 = arith.constant 0 : i32
      %dma_start3A_82 = arith.constant 0 : i32
      %dma_start3A_83 = tpu.memref_slice %arg5[%dma_start3A_81, %dma_start3A_82] : memref<1000000x128xf32, #tpu.memory_space<hbm>> -> memref<1000000x128xf32, #tpu.memory_space<hbm>>
      tpu.enqueue_indirect_dma source(%dma_start3A_83 : memref<1000000x128xf32, #tpu.memory_space<hbm>>) target(%dma_start3A_79 : memref<128x128xf32, #tpu.memory_space<vmem>>) offsets(%dma_start3A_80 : memref<128xi32, #tpu.memory_space<vmem>>) semaphore(%arg18 : memref<!tpu.dma_semaphore, #tpu.memory_space<semaphore_mem>>)
      %mul3A_84 = arith.constant 160 : i32
      %mul3A_85 = arith.muli %add3A_71, %mul3A_84 : i32
      %add3A_86 = arith.constant 128 : i32
      %add3A_87 = arith.addi %mul3A_85, %add3A_86 : i32
      %multiple_of3A_88 = tpu.assume_multiple %add3A_87, 8 : i32
      %dma_start3A_89 = arith.constant 128 : i32
      %dma_start3A_90 = arith.constant 0 : i32
      %dma_start3A_91 = tpu.memref_slice %arg12[%dma_start3A_89, %dma_start3A_90] : memref<160x128xf32, #tpu.memory_space<vmem>> -> memref<32x128xf32, #tpu.memory_space<vmem>>
      %dma_start3A_92 = tpu.memref_slice %arg8[%multiple_of3A_88] : memref<5120xi32, #tpu.memory_space<vmem>> -> memref<32xi32, #tpu.memory_space<vmem>>
      %dma_start3A_93 = arith.constant 0 : i32
      %dma_start3A_94 = arith.constant 0 : i32
      %dma_start3A_95 = tpu.memref_slice %arg5[%dma_start3A_93, %dma_start3A_94] : memref<1000000x128xf32, #tpu.memory_space<hbm>> -> memref<1000000x128xf32, #tpu.memory_space<hbm>>
      tpu.enqueue_indirect_dma source(%dma_start3A_95 : memref<1000000x128xf32, #tpu.memory_space<hbm>>) target(%dma_start3A_91 : memref<32x128xf32, #tpu.memory_space<vmem>>) offsets(%dma_start3A_92 : memref<32xi32, #tpu.memory_space<vmem>>) semaphore(%arg18 : memref<!tpu.dma_semaphore, #tpu.memory_space<semaphore_mem>>)
      %mul3A_96 = arith.constant 144 : i32
      %mul3A_97 = arith.muli %add3A_71, %mul3A_96 : i32
      %add3A_98 = arith.constant 0 : i32
      %add3A_99 = arith.addi %mul3A_97, %add3A_98 : i32
      %multiple_of3A_100 = tpu.assume_multiple %add3A_99, 8 : i32
      %dma_start3A_101 = arith.constant 0 : i32
      %dma_start3A_102 = arith.constant 0 : i32
      %dma_start3A_103 = tpu.memref_slice %arg14[%dma_start3A_101, %dma_start3A_102] : memref<144x128xf32, #tpu.memory_space<vmem>> -> memref<128x128xf32, #tpu.memory_space<vmem>>
      %dma_start3A_104 = tpu.memref_slice %arg9[%multiple_of3A_100] : memref<4608xi32, #tpu.memory_space<vmem>> -> memref<128xi32, #tpu.memory_space<vmem>>
      %dma_start3A_105 = arith.constant 0 : i32
      %dma_start3A_106 = arith.constant 0 : i32
      %dma_start3A_107 = tpu.memref_slice %arg6[%dma_start3A_105, %dma_start3A_106] : memref<264x128xf32, #tpu.memory_space<hbm>> -> memref<264x128xf32, #tpu.memory_space<hbm>>
      tpu.enqueue_indirect_dma source(%dma_start3A_107 : memref<264x128xf32, #tpu.memory_space<hbm>>) target(%dma_start3A_103 : memref<128x128xf32, #tpu.memory_space<vmem>>) offsets(%dma_start3A_104 : memref<128xi32, #tpu.memory_space<vmem>>) semaphore(%arg18 : memref<!tpu.dma_semaphore, #tpu.memory_space<semaphore_mem>>)
      %mul3A_108 = arith.constant 144 : i32
      %mul3A_109 = arith.muli %add3A_71, %mul3A_108 : i32
      %add3A_110 = arith.constant 128 : i32
      %add3A_111 = arith.addi %mul3A_109, %add3A_110 : i32
      %multiple_of3A_112 = tpu.assume_multiple %add3A_111, 8 : i32
      %dma_start3A_113 = arith.constant 128 : i32
      %dma_start3A_114 = arith.constant 0 : i32
      %dma_start3A_115 = tpu.memref_slice %arg14[%dma_start3A_113, %dma_start3A_114] : memref<144x128xf32, #tpu.memory_space<vmem>> -> memref<16x128xf32, #tpu.memory_space<vmem>>
      %dma_start3A_116 = tpu.memref_slice %arg9[%multiple_of3A_112] : memref<4608xi32, #tpu.memory_space<vmem>> -> memref<16xi32, #tpu.memory_space<vmem>>
      %dma_start3A_117 = arith.constant 0 : i32
      %dma_start3A_118 = arith.constant 0 : i32
      %dma_start3A_119 = tpu.memref_slice %arg6[%dma_start3A_117, %dma_start3A_118] : memref<264x128xf32, #tpu.memory_space<hbm>> -> memref<264x128xf32, #tpu.memory_space<hbm>>
      tpu.enqueue_indirect_dma source(%dma_start3A_119 : memref<264x128xf32, #tpu.memory_space<hbm>>) target(%dma_start3A_115 : memref<16x128xf32, #tpu.memory_space<vmem>>) offsets(%dma_start3A_116 : memref<16xi32, #tpu.memory_space<vmem>>) semaphore(%arg18 : memref<!tpu.dma_semaphore, #tpu.memory_space<semaphore_mem>>)
      %mul3A_120 = arith.constant 160 : i32
      %mul3A_121 = arith.muli %mul3A_69, %mul3A_120 : i32
      %add3A_122 = arith.constant 0 : i32
      %add3A_123 = arith.addi %mul3A_121, %add3A_122 : i32
      %multiple_of3A_124 = tpu.assume_multiple %add3A_123, 8 : i32
      %dma_wait3A_125 = arith.constant 0 : i32
      %dma_wait3A_126 = arith.constant 0 : i32
      %dma_wait3A_127 = tpu.memref_slice %arg11[%dma_wait3A_125, %dma_wait3A_126] : memref<160x128xf32, #tpu.memory_space<vmem>> -> memref<128x128xf32, #tpu.memory_space<vmem>>
      %dma_wait3A_128 = tpu.memref_slice %arg8[%multiple_of3A_124] : memref<5120xi32, #tpu.memory_space<vmem>> -> memref<128xi32, #tpu.memory_space<vmem>>
      %dma_wait3A_129 = arith.constant 0 : i32
      %dma_wait3A_130 = arith.constant 0 : i32
      %dma_wait3A_131 = tpu.memref_slice %arg5[%dma_wait3A_129, %dma_wait3A_130] : memref<1000000x128xf32, #tpu.memory_space<hbm>> -> memref<1000000x128xf32, #tpu.memory_space<hbm>>
      tpu.wait_indirect_dma semaphore(%arg17 : memref<!tpu.dma_semaphore, #tpu.memory_space<semaphore_mem>>) src(%dma_wait3A_131 : memref<1000000x128xf32, #tpu.memory_space<hbm>>) dst(%dma_wait3A_127 : memref<128x128xf32, #tpu.memory_space<vmem>>)
      %mul3A_132 = arith.constant 160 : i32
      %mul3A_133 = arith.muli %mul3A_69, %mul3A_132 : i32
      %add3A_134 = arith.constant 128 : i32
      %add3A_135 = arith.addi %mul3A_133, %add3A_134 : i32
      %multiple_of3A_136 = tpu.assume_multiple %add3A_135, 8 : i32
      %dma_wait3A_137 = arith.constant 128 : i32
      %dma_wait3A_138 = arith.constant 0 : i32
      %dma_wait3A_139 = tpu.memref_slice %arg11[%dma_wait3A_137, %dma_wait3A_138] : memref<160x128xf32, #tpu.memory_space<vmem>> -> memref<32x128xf32, #tpu.memory_space<vmem>>
      %dma_wait3A_140 = tpu.memref_slice %arg8[%multiple_of3A_136] : memref<5120xi32, #tpu.memory_space<vmem>> -> memref<32xi32, #tpu.memory_space<vmem>>
      %dma_wait3A_141 = arith.constant 0 : i32
      %dma_wait3A_142 = arith.constant 0 : i32
      %dma_wait3A_143 = tpu.memref_slice %arg5[%dma_wait3A_141, %dma_wait3A_142] : memref<1000000x128xf32, #tpu.memory_space<hbm>> -> memref<1000000x128xf32, #tpu.memory_space<hbm>>
      tpu.wait_indirect_dma semaphore(%arg17 : memref<!tpu.dma_semaphore, #tpu.memory_space<semaphore_mem>>) src(%dma_wait3A_143 : memref<1000000x128xf32, #tpu.memory_space<hbm>>) dst(%dma_wait3A_139 : memref<32x128xf32, #tpu.memory_space<vmem>>)
      %mul3A_144 = arith.constant 144 : i32
      %mul3A_145 = arith.muli %mul3A_69, %mul3A_144 : i32
      %add3A_146 = arith.constant 0 : i32
      %add3A_147 = arith.addi %mul3A_145, %add3A_146 : i32
      %multiple_of3A_148 = tpu.assume_multiple %add3A_147, 8 : i32
      %dma_wait3A_149 = arith.constant 0 : i32
      %dma_wait3A_150 = arith.constant 0 : i32
      %dma_wait3A_151 = tpu.memref_slice %arg13[%dma_wait3A_149, %dma_wait3A_150] : memref<144x128xf32, #tpu.memory_space<vmem>> -> memref<128x128xf32, #tpu.memory_space<vmem>>
      %dma_wait3A_152 = tpu.memref_slice %arg9[%multiple_of3A_148] : memref<4608xi32, #tpu.memory_space<vmem>> -> memref<128xi32, #tpu.memory_space<vmem>>
      %dma_wait3A_153 = arith.constant 0 : i32
      %dma_wait3A_154 = arith.constant 0 : i32
      %dma_wait3A_155 = tpu.memref_slice %arg6[%dma_wait3A_153, %dma_wait3A_154] : memref<264x128xf32, #tpu.memory_space<hbm>> -> memref<264x128xf32, #tpu.memory_space<hbm>>
      tpu.wait_indirect_dma semaphore(%arg17 : memref<!tpu.dma_semaphore, #tpu.memory_space<semaphore_mem>>) src(%dma_wait3A_155 : memref<264x128xf32, #tpu.memory_space<hbm>>) dst(%dma_wait3A_151 : memref<128x128xf32, #tpu.memory_space<vmem>>)
      %mul3A_156 = arith.constant 144 : i32
      %mul3A_157 = arith.muli %mul3A_69, %mul3A_156 : i32
      %add3A_158 = arith.constant 128 : i32
      %add3A_159 = arith.addi %mul3A_157, %add3A_158 : i32
      %multiple_of3A_160 = tpu.assume_multiple %add3A_159, 8 : i32
      %dma_wait3A_161 = arith.constant 128 : i32
      %dma_wait3A_162 = arith.constant 0 : i32
      %dma_wait3A_163 = tpu.memref_slice %arg13[%dma_wait3A_161, %dma_wait3A_162] : memref<144x128xf32, #tpu.memory_space<vmem>> -> memref<16x128xf32, #tpu.memory_space<vmem>>
      %dma_wait3A_164 = tpu.memref_slice %arg9[%multiple_of3A_160] : memref<4608xi32, #tpu.memory_space<vmem>> -> memref<16xi32, #tpu.memory_space<vmem>>
      %dma_wait3A_165 = arith.constant 0 : i32
      %dma_wait3A_166 = arith.constant 0 : i32
      %dma_wait3A_167 = tpu.memref_slice %arg6[%dma_wait3A_165, %dma_wait3A_166] : memref<264x128xf32, #tpu.memory_space<hbm>> -> memref<264x128xf32, #tpu.memory_space<hbm>>
      tpu.wait_indirect_dma semaphore(%arg17 : memref<!tpu.dma_semaphore, #tpu.memory_space<semaphore_mem>>) src(%dma_wait3A_167 : memref<264x128xf32, #tpu.memory_space<hbm>>) dst(%dma_wait3A_163 : memref<16x128xf32, #tpu.memory_space<vmem>>)
      %gt3A = arith.constant 0 : i32
      %gt3A_168 = arith.cmpi sgt, %scan3A_67, %gt3A : i32
      %convert_element_type3A = arith.extui %gt3A_168 : i1 to i32
      %cond3A = arith.constant 0 : i32
      %cond3A_169 = arith.cmpi ne, %convert_element_type3A, %cond3A : i32
      scf.if %cond3A_169 {
        %sub3A = arith.constant 2 : i32
        %sub3A_255 = arith.subi %mul3A_69, %sub3A : i32
        %mul3A_256 = arith.constant 16 : i32
        %mul3A_257 = arith.muli %sub3A_255, %mul3A_256 : i32
        %add3A_258 = arith.addi %mul3A_2, %mul3A_257 : i32
        %multiple_of3A_259 = tpu.assume_multiple %add3A_258, 16 : i32
        %dma_wait3A_260 = arith.constant 0 : i32
        %dma_wait3A_261 = tpu.memref_slice %arg7[%multiple_of3A_259, %dma_wait3A_260] : memref<16384x64xf32, #tpu.memory_space<hbm>> -> memref<16x64xf32, #tpu.memory_space<hbm>>
        %dma_wait3A_262 = arith.constant 0 : i32
        %dma_wait3A_263 = tpu.memref_slice %arg7[%multiple_of3A_259, %dma_wait3A_262] : memref<16384x64xf32, #tpu.memory_space<hbm>> -> memref<16x64xf32, #tpu.memory_space<hbm>>
        tpu.wait_dma2 semaphore(%arg19 : memref<!tpu.dma_semaphore, #tpu.memory_space<semaphore_mem>>) src(%arg15 : memref<16x64xf32, #tpu.memory_space<vmem>>) dst(%dma_wait3A_263 : memref<16x64xf32, #tpu.memory_space<hbm>>)
      } else {
      }
      %scan3A_170 = arith.constant 0 : i32
      %scan3A_171 = arith.constant 0 : i32
      %scan3A_172 = arith.constant 16 : i32
      %scan3A_173 = arith.addi %scan3A_171, %scan3A_172 : i32
      %scan3A_174 = arith.constant 1 : i32
      scf.for %scan3A_255 = %scan3A_171 to %scan3A_173 step %scan3A_174  : i32 {
        %mul3A_256 = arith.constant 10 : i32
        %mul3A_257 = arith.muli %scan3A_255, %mul3A_256 : i32
        %mul3A_258 = arith.constant 9 : i32
        %mul3A_259 = arith.muli %scan3A_255, %mul3A_258 : i32
        %get3A = arith.index_cast %mul3A_257 : i32 to index
        %get3A_260 = arith.constant 0 : index
        %get3A_261 = tpu.vector_load %arg11[%get3A, %get3A_260] {strides = array<i32>} : memref<160x128xf32, #tpu.memory_space<vmem>>, vector<1x16xf32>,
        %get3A_262 = vector.shape_cast %get3A_261 : vector<1x16xf32> to vector<16xf32>
        %add3A_263 = arith.constant 1 : i32
        %add3A_264 = arith.addi %mul3A_257, %add3A_263 : i32
        %get3A_265 = arith.index_cast %add3A_264 : i32 to index
        %get3A_266 = arith.constant 0 : index
        %get3A_267 = tpu.vector_load %arg11[%get3A_265, %get3A_266] {strides = array<i32>} : memref<160x128xf32, #tpu.memory_space<vmem>>, vector<1x16xf32>,
        %get3A_268 = vector.shape_cast %get3A_267 : vector<1x16xf32> to vector<16xf32>
        %add3A_269 = arith.addf %get3A_262, %get3A_268 : vector<16xf32>
        %add3A_270 = arith.constant 2 : i32
        %add3A_271 = arith.addi %mul3A_257, %add3A_270 : i32
        %get3A_272 = arith.index_cast %add3A_271 : i32 to index
        %get3A_273 = arith.constant 0 : index
        %get3A_274 = tpu.vector_load %arg11[%get3A_272, %get3A_273] {strides = array<i32>} : memref<160x128xf32, #tpu.memory_space<vmem>>, vector<1x16xf32>,
        %get3A_275 = vector.shape_cast %get3A_274 : vector<1x16xf32> to vector<16xf32>
        %add3A_276 = arith.addf %add3A_269, %get3A_275 : vector<16xf32>
        %add3A_277 = arith.constant 3 : i32
        %add3A_278 = arith.addi %mul3A_257, %add3A_277 : i32
        %get3A_279 = arith.index_cast %add3A_278 : i32 to index
        %get3A_280 = arith.constant 0 : index
        %get3A_281 = tpu.vector_load %arg11[%get3A_279, %get3A_280] {strides = array<i32>} : memref<160x128xf32, #tpu.memory_space<vmem>>, vector<1x16xf32>,
        %get3A_282 = vector.shape_cast %get3A_281 : vector<1x16xf32> to vector<16xf32>
        %add3A_283 = arith.addf %add3A_276, %get3A_282 : vector<16xf32>
        %add3A_284 = arith.constant 4 : i32
        %add3A_285 = arith.addi %mul3A_257, %add3A_284 : i32
        %get3A_286 = arith.index_cast %add3A_285 : i32 to index
        %get3A_287 = arith.constant 0 : index
        %get3A_288 = tpu.vector_load %arg11[%get3A_286, %get3A_287] {strides = array<i32>} : memref<160x128xf32, #tpu.memory_space<vmem>>, vector<1x16xf32>,
        %get3A_289 = vector.shape_cast %get3A_288 : vector<1x16xf32> to vector<16xf32>
        %add3A_290 = arith.addf %add3A_283, %get3A_289 : vector<16xf32>
        %add3A_291 = arith.constant 5 : i32
        %add3A_292 = arith.addi %mul3A_257, %add3A_291 : i32
        %get3A_293 = arith.index_cast %add3A_292 : i32 to index
        %get3A_294 = arith.constant 0 : index
        %get3A_295 = tpu.vector_load %arg11[%get3A_293, %get3A_294] {strides = array<i32>} : memref<160x128xf32, #tpu.memory_space<vmem>>, vector<1x16xf32>,
        %get3A_296 = vector.shape_cast %get3A_295 : vector<1x16xf32> to vector<16xf32>
        %add3A_297 = arith.addf %add3A_290, %get3A_296 : vector<16xf32>
        %add3A_298 = arith.constant 6 : i32
        %add3A_299 = arith.addi %mul3A_257, %add3A_298 : i32
        %get3A_300 = arith.index_cast %add3A_299 : i32 to index
        %get3A_301 = arith.constant 0 : index
        %get3A_302 = tpu.vector_load %arg11[%get3A_300, %get3A_301] {strides = array<i32>} : memref<160x128xf32, #tpu.memory_space<vmem>>, vector<1x16xf32>,
        %get3A_303 = vector.shape_cast %get3A_302 : vector<1x16xf32> to vector<16xf32>
        %add3A_304 = arith.addf %add3A_297, %get3A_303 : vector<16xf32>
        %add3A_305 = arith.constant 7 : i32
        %add3A_306 = arith.addi %mul3A_257, %add3A_305 : i32
        %get3A_307 = arith.index_cast %add3A_306 : i32 to index
        %get3A_308 = arith.constant 0 : index
        %get3A_309 = tpu.vector_load %arg11[%get3A_307, %get3A_308] {strides = array<i32>} : memref<160x128xf32, #tpu.memory_space<vmem>>, vector<1x16xf32>,
        %get3A_310 = vector.shape_cast %get3A_309 : vector<1x16xf32> to vector<16xf32>
        %add3A_311 = arith.addf %add3A_304, %get3A_310 : vector<16xf32>
        %add3A_312 = arith.constant 8 : i32
        %add3A_313 = arith.addi %mul3A_257, %add3A_312 : i32
        %get3A_314 = arith.index_cast %add3A_313 : i32 to index
        %get3A_315 = arith.constant 0 : index
        %get3A_316 = tpu.vector_load %arg11[%get3A_314, %get3A_315] {strides = array<i32>} : memref<160x128xf32, #tpu.memory_space<vmem>>, vector<1x16xf32>,
        %get3A_317 = vector.shape_cast %get3A_316 : vector<1x16xf32> to vector<16xf32>
        %add3A_318 = arith.addf %add3A_311, %get3A_317 : vector<16xf32>
        %add3A_319 = arith.constant 9 : i32
        %add3A_320 = arith.addi %mul3A_257, %add3A_319 : i32
        %get3A_321 = arith.index_cast %add3A_320 : i32 to index
        %get3A_322 = arith.constant 0 : index
        %get3A_323 = tpu.vector_load %arg11[%get3A_321, %get3A_322] {strides = array<i32>} : memref<160x128xf32, #tpu.memory_space<vmem>>, vector<1x16xf32>,
        %get3A_324 = vector.shape_cast %get3A_323 : vector<1x16xf32> to vector<16xf32>
        %add3A_325 = arith.addf %add3A_318, %get3A_324 : vector<16xf32>
        %add3A_326 = arith.constant 0 : i32
        %add3A_327 = arith.addi %mul3A_259, %add3A_326 : i32
        %get3A_328 = arith.index_cast %add3A_327 : i32 to index
        %get3A_329 = arith.constant 0 : index
        %get3A_330 = tpu.vector_load %arg13[%get3A_328, %get3A_329] {strides = array<i32>} : memref<144x128xf32, #tpu.memory_space<vmem>>, vector<1x16xf32>,
        %get3A_331 = vector.shape_cast %get3A_330 : vector<1x16xf32> to vector<16xf32>
        %add3A_332 = arith.addf %add3A_325, %get3A_331 : vector<16xf32>
        %add3A_333 = arith.constant 1 : i32
        %add3A_334 = arith.addi %mul3A_259, %add3A_333 : i32
        %get3A_335 = arith.index_cast %add3A_334 : i32 to index
        %get3A_336 = arith.constant 0 : index
        %get3A_337 = tpu.vector_load %arg13[%get3A_335, %get3A_336] {strides = array<i32>} : memref<144x128xf32, #tpu.memory_space<vmem>>, vector<1x16xf32>,
        %get3A_338 = vector.shape_cast %get3A_337 : vector<1x16xf32> to vector<16xf32>
        %add3A_339 = arith.addf %add3A_332, %get3A_338 : vector<16xf32>
        %add3A_340 = arith.constant 2 : i32
        %add3A_341 = arith.addi %mul3A_259, %add3A_340 : i32
        %get3A_342 = arith.index_cast %add3A_341 : i32 to index
        %get3A_343 = arith.constant 0 : index
        %get3A_344 = tpu.vector_load %arg13[%get3A_342, %get3A_343] {strides = array<i32>} : memref<144x128xf32, #tpu.memory_space<vmem>>, vector<1x16xf32>,
        %get3A_345 = vector.shape_cast %get3A_344 : vector<1x16xf32> to vector<16xf32>
        %add3A_346 = arith.addf %add3A_339, %get3A_345 : vector<16xf32>
        %add3A_347 = arith.constant 3 : i32
        %add3A_348 = arith.addi %mul3A_259, %add3A_347 : i32
        %get3A_349 = arith.index_cast %add3A_348 : i32 to index
        %get3A_350 = arith.constant 0 : index
        %get3A_351 = tpu.vector_load %arg13[%get3A_349, %get3A_350] {strides = array<i32>} : memref<144x128xf32, #tpu.memory_space<vmem>>, vector<1x16xf32>,
        %get3A_352 = vector.shape_cast %get3A_351 : vector<1x16xf32> to vector<16xf32>
        %add3A_353 = arith.addf %add3A_346, %get3A_352 : vector<16xf32>
        %add3A_354 = arith.constant 4 : i32
        %add3A_355 = arith.addi %mul3A_259, %add3A_354 : i32
        %get3A_356 = arith.index_cast %add3A_355 : i32 to index
        %get3A_357 = arith.constant 0 : index
        %get3A_358 = tpu.vector_load %arg13[%get3A_356, %get3A_357] {strides = array<i32>} : memref<144x128xf32, #tpu.memory_space<vmem>>, vector<1x16xf32>,
        %get3A_359 = vector.shape_cast %get3A_358 : vector<1x16xf32> to vector<16xf32>
        %add3A_360 = arith.addf %add3A_353, %get3A_359 : vector<16xf32>
        %add3A_361 = arith.constant 5 : i32
        %add3A_362 = arith.addi %mul3A_259, %add3A_361 : i32
        %get3A_363 = arith.index_cast %add3A_362 : i32 to index
        %get3A_364 = arith.constant 0 : index
        %get3A_365 = tpu.vector_load %arg13[%get3A_363, %get3A_364] {strides = array<i32>} : memref<144x128xf32, #tpu.memory_space<vmem>>, vector<1x16xf32>,
        %get3A_366 = vector.shape_cast %get3A_365 : vector<1x16xf32> to vector<16xf32>
        %add3A_367 = arith.addf %add3A_360, %get3A_366 : vector<16xf32>
        %add3A_368 = arith.constant 6 : i32
        %add3A_369 = arith.addi %mul3A_259, %add3A_368 : i32
        %get3A_370 = arith.index_cast %add3A_369 : i32 to index
        %get3A_371 = arith.constant 0 : index
        %get3A_372 = tpu.vector_load %arg13[%get3A_370, %get3A_371] {strides = array<i32>} : memref<144x128xf32, #tpu.memory_space<vmem>>, vector<1x16xf32>,
        %get3A_373 = vector.shape_cast %get3A_372 : vector<1x16xf32> to vector<16xf32>
        %add3A_374 = arith.addf %add3A_367, %get3A_373 : vector<16xf32>
        %add3A_375 = arith.constant 7 : i32
        %add3A_376 = arith.addi %mul3A_259, %add3A_375 : i32
        %get3A_377 = arith.index_cast %add3A_376 : i32 to index
        %get3A_378 = arith.constant 0 : index
        %get3A_379 = tpu.vector_load %arg13[%get3A_377, %get3A_378] {strides = array<i32>} : memref<144x128xf32, #tpu.memory_space<vmem>>, vector<1x16xf32>,
        %get3A_380 = vector.shape_cast %get3A_379 : vector<1x16xf32> to vector<16xf32>
        %add3A_381 = arith.addf %add3A_374, %get3A_380 : vector<16xf32>
        %add3A_382 = arith.constant 8 : i32
        %add3A_383 = arith.addi %mul3A_259, %add3A_382 : i32
        %get3A_384 = arith.index_cast %add3A_383 : i32 to index
        %get3A_385 = arith.constant 0 : index
        %get3A_386 = tpu.vector_load %arg13[%get3A_384, %get3A_385] {strides = array<i32>} : memref<144x128xf32, #tpu.memory_space<vmem>>, vector<1x16xf32>,
        %get3A_387 = vector.shape_cast %get3A_386 : vector<1x16xf32> to vector<16xf32>
        %add3A_388 = arith.addf %add3A_381, %get3A_387 : vector<16xf32>
        %swap3A = arith.index_cast %scan3A_255 : i32 to index
        %swap3A_389 = arith.constant 0 : index
        %swap3A_390 = tpu.vector_load %arg15[%swap3A, %swap3A_389] {strides = array<i32>} : memref<16x64xf32, #tpu.memory_space<vmem>>, vector<1x16xf32>,
        %swap3A_391 = vector.shape_cast %swap3A_390 : vector<1x16xf32> to vector<16xf32>
        %swap3A_392 = vector.shape_cast %add3A_388 : vector<16xf32> to vector<1x16xf32>
        tpu.vector_store %arg15[%swap3A, %swap3A_389], %swap3A_392 {strides = array<i32>} : memref<16x64xf32, #tpu.memory_space<vmem>>, vector<1x16xf32>,
        %get3A_393 = arith.index_cast %mul3A_257 : i32 to index
        %get3A_394 = arith.constant 16 : index
        %get3A_395 = tpu.vector_load %arg11[%get3A_393, %get3A_394] {strides = array<i32>} : memref<160x128xf32, #tpu.memory_space<vmem>>, vector<1x16xf32>,
        %get3A_396 = vector.shape_cast %get3A_395 : vector<1x16xf32> to vector<16xf32>
        %add3A_397 = arith.constant 1 : i32
        %add3A_398 = arith.addi %mul3A_257, %add3A_397 : i32
        %get3A_399 = arith.index_cast %add3A_398 : i32 to index
        %get3A_400 = arith.constant 16 : index
        %get3A_401 = tpu.vector_load %arg11[%get3A_399, %get3A_400] {strides = array<i32>} : memref<160x128xf32, #tpu.memory_space<vmem>>, vector<1x16xf32>,
        %get3A_402 = vector.shape_cast %get3A_401 : vector<1x16xf32> to vector<16xf32>
        %add3A_403 = arith.addf %get3A_396, %get3A_402 : vector<16xf32>
        %add3A_404 = arith.constant 2 : i32
        %add3A_405 = arith.addi %mul3A_257, %add3A_404 : i32
        %get3A_406 = arith.index_cast %add3A_405 : i32 to index
        %get3A_407 = arith.constant 16 : index
        %get3A_408 = tpu.vector_load %arg11[%get3A_406, %get3A_407] {strides = array<i32>} : memref<160x128xf32, #tpu.memory_space<vmem>>, vector<1x16xf32>,
        %get3A_409 = vector.shape_cast %get3A_408 : vector<1x16xf32> to vector<16xf32>
        %add3A_410 = arith.addf %add3A_403, %get3A_409 : vector<16xf32>
        %add3A_411 = arith.constant 3 : i32
        %add3A_412 = arith.addi %mul3A_257, %add3A_411 : i32
        %get3A_413 = arith.index_cast %add3A_412 : i32 to index
        %get3A_414 = arith.constant 16 : index
        %get3A_415 = tpu.vector_load %arg11[%get3A_413, %get3A_414] {strides = array<i32>} : memref<160x128xf32, #tpu.memory_space<vmem>>, vector<1x16xf32>,
        %get3A_416 = vector.shape_cast %get3A_415 : vector<1x16xf32> to vector<16xf32>
        %add3A_417 = arith.addf %add3A_410, %get3A_416 : vector<16xf32>
        %add3A_418 = arith.constant 4 : i32
        %add3A_419 = arith.addi %mul3A_257, %add3A_418 : i32
        %get3A_420 = arith.index_cast %add3A_419 : i32 to index
        %get3A_421 = arith.constant 16 : index
        %get3A_422 = tpu.vector_load %arg11[%get3A_420, %get3A_421] {strides = array<i32>} : memref<160x128xf32, #tpu.memory_space<vmem>>, vector<1x16xf32>,
        %get3A_423 = vector.shape_cast %get3A_422 : vector<1x16xf32> to vector<16xf32>
        %add3A_424 = arith.addf %add3A_417, %get3A_423 : vector<16xf32>
        %add3A_425 = arith.constant 5 : i32
        %add3A_426 = arith.addi %mul3A_257, %add3A_425 : i32
        %get3A_427 = arith.index_cast %add3A_426 : i32 to index
        %get3A_428 = arith.constant 16 : index
        %get3A_429 = tpu.vector_load %arg11[%get3A_427, %get3A_428] {strides = array<i32>} : memref<160x128xf32, #tpu.memory_space<vmem>>, vector<1x16xf32>,
        %get3A_430 = vector.shape_cast %get3A_429 : vector<1x16xf32> to vector<16xf32>
        %add3A_431 = arith.addf %add3A_424, %get3A_430 : vector<16xf32>
        %add3A_432 = arith.constant 6 : i32
        %add3A_433 = arith.addi %mul3A_257, %add3A_432 : i32
        %get3A_434 = arith.index_cast %add3A_433 : i32 to index
        %get3A_435 = arith.constant 16 : index
        %get3A_436 = tpu.vector_load %arg11[%get3A_434, %get3A_435] {strides = array<i32>} : memref<160x128xf32, #tpu.memory_space<vmem>>, vector<1x16xf32>,
        %get3A_437 = vector.shape_cast %get3A_436 : vector<1x16xf32> to vector<16xf32>
        %add3A_438 = arith.addf %add3A_431, %get3A_437 : vector<16xf32>
        %add3A_439 = arith.constant 7 : i32
        %add3A_440 = arith.addi %mul3A_257, %add3A_439 : i32
        %get3A_441 = arith.index_cast %add3A_440 : i32 to index
        %get3A_442 = arith.constant 16 : index
        %get3A_443 = tpu.vector_load %arg11[%get3A_441, %get3A_442] {strides = array<i32>} : memref<160x128xf32, #tpu.memory_space<vmem>>, vector<1x16xf32>,
        %get3A_444 = vector.shape_cast %get3A_443 : vector<1x16xf32> to vector<16xf32>
        %add3A_445 = arith.addf %add3A_438, %get3A_444 : vector<16xf32>
        %add3A_446 = arith.constant 8 : i32
        %add3A_447 = arith.addi %mul3A_257, %add3A_446 : i32
        %get3A_448 = arith.index_cast %add3A_447 : i32 to index
        %get3A_449 = arith.constant 16 : index
        %get3A_450 = tpu.vector_load %arg11[%get3A_448, %get3A_449] {strides = array<i32>} : memref<160x128xf32, #tpu.memory_space<vmem>>, vector<1x16xf32>,
        %get3A_451 = vector.shape_cast %get3A_450 : vector<1x16xf32> to vector<16xf32>
        %add3A_452 = arith.addf %add3A_445, %get3A_451 : vector<16xf32>
        %add3A_453 = arith.constant 9 : i32
        %add3A_454 = arith.addi %mul3A_257, %add3A_453 : i32
        %get3A_455 = arith.index_cast %add3A_454 : i32 to index
        %get3A_456 = arith.constant 16 : index
        %get3A_457 = tpu.vector_load %arg11[%get3A_455, %get3A_456] {strides = array<i32>} : memref<160x128xf32, #tpu.memory_space<vmem>>, vector<1x16xf32>,
        %get3A_458 = vector.shape_cast %get3A_457 : vector<1x16xf32> to vector<16xf32>
        %add3A_459 = arith.addf %add3A_452, %get3A_458 : vector<16xf32>
        %add3A_460 = arith.constant 0 : i32
        %add3A_461 = arith.addi %mul3A_259, %add3A_460 : i32
        %get3A_462 = arith.index_cast %add3A_461 : i32 to index
        %get3A_463 = arith.constant 16 : index
        %get3A_464 = tpu.vector_load %arg13[%get3A_462, %get3A_463] {strides = array<i32>} : memref<144x128xf32, #tpu.memory_space<vmem>>, vector<1x16xf32>,
        %get3A_465 = vector.shape_cast %get3A_464 : vector<1x16xf32> to vector<16xf32>
        %add3A_466 = arith.addf %add3A_459, %get3A_465 : vector<16xf32>
        %add3A_467 = arith.constant 1 : i32
        %add3A_468 = arith.addi %mul3A_259, %add3A_467 : i32
        %get3A_469 = arith.index_cast %add3A_468 : i32 to index
        %get3A_470 = arith.constant 16 : index
        %get3A_471 = tpu.vector_load %arg13[%get3A_469, %get3A_470] {strides = array<i32>} : memref<144x128xf32, #tpu.memory_space<vmem>>, vector<1x16xf32>,
        %get3A_472 = vector.shape_cast %get3A_471 : vector<1x16xf32> to vector<16xf32>
        %add3A_473 = arith.addf %add3A_466, %get3A_472 : vector<16xf32>
        %add3A_474 = arith.constant 2 : i32
        %add3A_475 = arith.addi %mul3A_259, %add3A_474 : i32
        %get3A_476 = arith.index_cast %add3A_475 : i32 to index
        %get3A_477 = arith.constant 16 : index
        %get3A_478 = tpu.vector_load %arg13[%get3A_476, %get3A_477] {strides = array<i32>} : memref<144x128xf32, #tpu.memory_space<vmem>>, vector<1x16xf32>,
        %get3A_479 = vector.shape_cast %get3A_478 : vector<1x16xf32> to vector<16xf32>
        %add3A_480 = arith.addf %add3A_473, %get3A_479 : vector<16xf32>
        %add3A_481 = arith.constant 3 : i32
        %add3A_482 = arith.addi %mul3A_259, %add3A_481 : i32
        %get3A_483 = arith.index_cast %add3A_482 : i32 to index
        %get3A_484 = arith.constant 16 : index
        %get3A_485 = tpu.vector_load %arg13[%get3A_483, %get3A_484] {strides = array<i32>} : memref<144x128xf32, #tpu.memory_space<vmem>>, vector<1x16xf32>,
        %get3A_486 = vector.shape_cast %get3A_485 : vector<1x16xf32> to vector<16xf32>
        %add3A_487 = arith.addf %add3A_480, %get3A_486 : vector<16xf32>
        %add3A_488 = arith.constant 4 : i32
        %add3A_489 = arith.addi %mul3A_259, %add3A_488 : i32
        %get3A_490 = arith.index_cast %add3A_489 : i32 to index
        %get3A_491 = arith.constant 16 : index
        %get3A_492 = tpu.vector_load %arg13[%get3A_490, %get3A_491] {strides = array<i32>} : memref<144x128xf32, #tpu.memory_space<vmem>>, vector<1x16xf32>,
        %get3A_493 = vector.shape_cast %get3A_492 : vector<1x16xf32> to vector<16xf32>
        %add3A_494 = arith.addf %add3A_487, %get3A_493 : vector<16xf32>
        %add3A_495 = arith.constant 5 : i32
        %add3A_496 = arith.addi %mul3A_259, %add3A_495 : i32
        %get3A_497 = arith.index_cast %add3A_496 : i32 to index
        %get3A_498 = arith.constant 16 : index
        %get3A_499 = tpu.vector_load %arg13[%get3A_497, %get3A_498] {strides = array<i32>} : memref<144x128xf32, #tpu.memory_space<vmem>>, vector<1x16xf32>,
        %get3A_500 = vector.shape_cast %get3A_499 : vector<1x16xf32> to vector<16xf32>
        %add3A_501 = arith.addf %add3A_494, %get3A_500 : vector<16xf32>
        %add3A_502 = arith.constant 6 : i32
        %add3A_503 = arith.addi %mul3A_259, %add3A_502 : i32
        %get3A_504 = arith.index_cast %add3A_503 : i32 to index
        %get3A_505 = arith.constant 16 : index
        %get3A_506 = tpu.vector_load %arg13[%get3A_504, %get3A_505] {strides = array<i32>} : memref<144x128xf32, #tpu.memory_space<vmem>>, vector<1x16xf32>,
        %get3A_507 = vector.shape_cast %get3A_506 : vector<1x16xf32> to vector<16xf32>
        %add3A_508 = arith.addf %add3A_501, %get3A_507 : vector<16xf32>
        %add3A_509 = arith.constant 7 : i32
        %add3A_510 = arith.addi %mul3A_259, %add3A_509 : i32
        %get3A_511 = arith.index_cast %add3A_510 : i32 to index
        %get3A_512 = arith.constant 16 : index
        %get3A_513 = tpu.vector_load %arg13[%get3A_511, %get3A_512] {strides = array<i32>} : memref<144x128xf32, #tpu.memory_space<vmem>>, vector<1x16xf32>,
        %get3A_514 = vector.shape_cast %get3A_513 : vector<1x16xf32> to vector<16xf32>
        %add3A_515 = arith.addf %add3A_508, %get3A_514 : vector<16xf32>
        %add3A_516 = arith.constant 8 : i32
        %add3A_517 = arith.addi %mul3A_259, %add3A_516 : i32
        %get3A_518 = arith.index_cast %add3A_517 : i32 to index
        %get3A_519 = arith.constant 16 : index
        %get3A_520 = tpu.vector_load %arg13[%get3A_518, %get3A_519] {strides = array<i32>} : memref<144x128xf32, #tpu.memory_space<vmem>>, vector<1x16xf32>,
        %get3A_521 = vector.shape_cast %get3A_520 : vector<1x16xf32> to vector<16xf32>
        %add3A_522 = arith.addf %add3A_515, %get3A_521 : vector<16xf32>
        %swap3A_523 = arith.index_cast %scan3A_255 : i32 to index
        %swap3A_524 = arith.constant 16 : index
        %swap3A_525 = tpu.vector_load %arg15[%swap3A_523, %swap3A_524] {strides = array<i32>} : memref<16x64xf32, #tpu.memory_space<vmem>>, vector<1x16xf32>,
        %swap3A_526 = vector.shape_cast %swap3A_525 : vector<1x16xf32> to vector<16xf32>
        %swap3A_527 = vector.shape_cast %add3A_522 : vector<16xf32> to vector<1x16xf32>
        tpu.vector_store %arg15[%swap3A_523, %swap3A_524], %swap3A_527 {strides = array<i32>} : memref<16x64xf32, #tpu.memory_space<vmem>>, vector<1x16xf32>,
        %get3A_528 = arith.index_cast %mul3A_257 : i32 to index
        %get3A_529 = arith.constant 32 : index
        %get3A_530 = tpu.vector_load %arg11[%get3A_528, %get3A_529] {strides = array<i32>} : memref<160x128xf32, #tpu.memory_space<vmem>>, vector<1x16xf32>,
        %get3A_531 = vector.shape_cast %get3A_530 : vector<1x16xf32> to vector<16xf32>
        %add3A_532 = arith.constant 1 : i32
        %add3A_533 = arith.addi %mul3A_257, %add3A_532 : i32
        %get3A_534 = arith.index_cast %add3A_533 : i32 to index
        %get3A_535 = arith.constant 32 : index
        %get3A_536 = tpu.vector_load %arg11[%get3A_534, %get3A_535] {strides = array<i32>} : memref<160x128xf32, #tpu.memory_space<vmem>>, vector<1x16xf32>,
        %get3A_537 = vector.shape_cast %get3A_536 : vector<1x16xf32> to vector<16xf32>
        %add3A_538 = arith.addf %get3A_531, %get3A_537 : vector<16xf32>
        %add3A_539 = arith.constant 2 : i32
        %add3A_540 = arith.addi %mul3A_257, %add3A_539 : i32
        %get3A_541 = arith.index_cast %add3A_540 : i32 to index
        %get3A_542 = arith.constant 32 : index
        %get3A_543 = tpu.vector_load %arg11[%get3A_541, %get3A_542] {strides = array<i32>} : memref<160x128xf32, #tpu.memory_space<vmem>>, vector<1x16xf32>,
        %get3A_544 = vector.shape_cast %get3A_543 : vector<1x16xf32> to vector<16xf32>
        %add3A_545 = arith.addf %add3A_538, %get3A_544 : vector<16xf32>
        %add3A_546 = arith.constant 3 : i32
        %add3A_547 = arith.addi %mul3A_257, %add3A_546 : i32
        %get3A_548 = arith.index_cast %add3A_547 : i32 to index
        %get3A_549 = arith.constant 32 : index
        %get3A_550 = tpu.vector_load %arg11[%get3A_548, %get3A_549] {strides = array<i32>} : memref<160x128xf32, #tpu.memory_space<vmem>>, vector<1x16xf32>,
        %get3A_551 = vector.shape_cast %get3A_550 : vector<1x16xf32> to vector<16xf32>
        %add3A_552 = arith.addf %add3A_545, %get3A_551 : vector<16xf32>
        %add3A_553 = arith.constant 4 : i32
        %add3A_554 = arith.addi %mul3A_257, %add3A_553 : i32
        %get3A_555 = arith.index_cast %add3A_554 : i32 to index
        %get3A_556 = arith.constant 32 : index
        %get3A_557 = tpu.vector_load %arg11[%get3A_555, %get3A_556] {strides = array<i32>} : memref<160x128xf32, #tpu.memory_space<vmem>>, vector<1x16xf32>,
        %get3A_558 = vector.shape_cast %get3A_557 : vector<1x16xf32> to vector<16xf32>
        %add3A_559 = arith.addf %add3A_552, %get3A_558 : vector<16xf32>
        %add3A_560 = arith.constant 5 : i32
        %add3A_561 = arith.addi %mul3A_257, %add3A_560 : i32
        %get3A_562 = arith.index_cast %add3A_561 : i32 to index
        %get3A_563 = arith.constant 32 : index
        %get3A_564 = tpu.vector_load %arg11[%get3A_562, %get3A_563] {strides = array<i32>} : memref<160x128xf32, #tpu.memory_space<vmem>>, vector<1x16xf32>,
        %get3A_565 = vector.shape_cast %get3A_564 : vector<1x16xf32> to vector<16xf32>
        %add3A_566 = arith.addf %add3A_559, %get3A_565 : vector<16xf32>
        %add3A_567 = arith.constant 6 : i32
        %add3A_568 = arith.addi %mul3A_257, %add3A_567 : i32
        %get3A_569 = arith.index_cast %add3A_568 : i32 to index
        %get3A_570 = arith.constant 32 : index
        %get3A_571 = tpu.vector_load %arg11[%get3A_569, %get3A_570] {strides = array<i32>} : memref<160x128xf32, #tpu.memory_space<vmem>>, vector<1x16xf32>,
        %get3A_572 = vector.shape_cast %get3A_571 : vector<1x16xf32> to vector<16xf32>
        %add3A_573 = arith.addf %add3A_566, %get3A_572 : vector<16xf32>
        %add3A_574 = arith.constant 7 : i32
        %add3A_575 = arith.addi %mul3A_257, %add3A_574 : i32
        %get3A_576 = arith.index_cast %add3A_575 : i32 to index
        %get3A_577 = arith.constant 32 : index
        %get3A_578 = tpu.vector_load %arg11[%get3A_576, %get3A_577] {strides = array<i32>} : memref<160x128xf32, #tpu.memory_space<vmem>>, vector<1x16xf32>,
        %get3A_579 = vector.shape_cast %get3A_578 : vector<1x16xf32> to vector<16xf32>
        %add3A_580 = arith.addf %add3A_573, %get3A_579 : vector<16xf32>
        %add3A_581 = arith.constant 8 : i32
        %add3A_582 = arith.addi %mul3A_257, %add3A_581 : i32
        %get3A_583 = arith.index_cast %add3A_582 : i32 to index
        %get3A_584 = arith.constant 32 : index
        %get3A_585 = tpu.vector_load %arg11[%get3A_583, %get3A_584] {strides = array<i32>} : memref<160x128xf32, #tpu.memory_space<vmem>>, vector<1x16xf32>,
        %get3A_586 = vector.shape_cast %get3A_585 : vector<1x16xf32> to vector<16xf32>
        %add3A_587 = arith.addf %add3A_580, %get3A_586 : vector<16xf32>
        %add3A_588 = arith.constant 9 : i32
        %add3A_589 = arith.addi %mul3A_257, %add3A_588 : i32
        %get3A_590 = arith.index_cast %add3A_589 : i32 to index
        %get3A_591 = arith.constant 32 : index
        %get3A_592 = tpu.vector_load %arg11[%get3A_590, %get3A_591] {strides = array<i32>} : memref<160x128xf32, #tpu.memory_space<vmem>>, vector<1x16xf32>,
        %get3A_593 = vector.shape_cast %get3A_592 : vector<1x16xf32> to vector<16xf32>
        %add3A_594 = arith.addf %add3A_587, %get3A_593 : vector<16xf32>
        %add3A_595 = arith.constant 0 : i32
        %add3A_596 = arith.addi %mul3A_259, %add3A_595 : i32
        %get3A_597 = arith.index_cast %add3A_596 : i32 to index
        %get3A_598 = arith.constant 32 : index
        %get3A_599 = tpu.vector_load %arg13[%get3A_597, %get3A_598] {strides = array<i32>} : memref<144x128xf32, #tpu.memory_space<vmem>>, vector<1x16xf32>,
        %get3A_600 = vector.shape_cast %get3A_599 : vector<1x16xf32> to vector<16xf32>
        %add3A_601 = arith.addf %add3A_594, %get3A_600 : vector<16xf32>
        %add3A_602 = arith.constant 1 : i32
        %add3A_603 = arith.addi %mul3A_259, %add3A_602 : i32
        %get3A_604 = arith.index_cast %add3A_603 : i32 to index
        %get3A_605 = arith.constant 32 : index
        %get3A_606 = tpu.vector_load %arg13[%get3A_604, %get3A_605] {strides = array<i32>} : memref<144x128xf32, #tpu.memory_space<vmem>>, vector<1x16xf32>,
        %get3A_607 = vector.shape_cast %get3A_606 : vector<1x16xf32> to vector<16xf32>
        %add3A_608 = arith.addf %add3A_601, %get3A_607 : vector<16xf32>
        %add3A_609 = arith.constant 2 : i32
        %add3A_610 = arith.addi %mul3A_259, %add3A_609 : i32
        %get3A_611 = arith.index_cast %add3A_610 : i32 to index
        %get3A_612 = arith.constant 32 : index
        %get3A_613 = tpu.vector_load %arg13[%get3A_611, %get3A_612] {strides = array<i32>} : memref<144x128xf32, #tpu.memory_space<vmem>>, vector<1x16xf32>,
        %get3A_614 = vector.shape_cast %get3A_613 : vector<1x16xf32> to vector<16xf32>
        %add3A_615 = arith.addf %add3A_608, %get3A_614 : vector<16xf32>
        %add3A_616 = arith.constant 3 : i32
        %add3A_617 = arith.addi %mul3A_259, %add3A_616 : i32
        %get3A_618 = arith.index_cast %add3A_617 : i32 to index
        %get3A_619 = arith.constant 32 : index
        %get3A_620 = tpu.vector_load %arg13[%get3A_618, %get3A_619] {strides = array<i32>} : memref<144x128xf32, #tpu.memory_space<vmem>>, vector<1x16xf32>,
        %get3A_621 = vector.shape_cast %get3A_620 : vector<1x16xf32> to vector<16xf32>
        %add3A_622 = arith.addf %add3A_615, %get3A_621 : vector<16xf32>
        %add3A_623 = arith.constant 4 : i32
        %add3A_624 = arith.addi %mul3A_259, %add3A_623 : i32
        %get3A_625 = arith.index_cast %add3A_624 : i32 to index
        %get3A_626 = arith.constant 32 : index
        %get3A_627 = tpu.vector_load %arg13[%get3A_625, %get3A_626] {strides = array<i32>} : memref<144x128xf32, #tpu.memory_space<vmem>>, vector<1x16xf32>,
        %get3A_628 = vector.shape_cast %get3A_627 : vector<1x16xf32> to vector<16xf32>
        %add3A_629 = arith.addf %add3A_622, %get3A_628 : vector<16xf32>
        %add3A_630 = arith.constant 5 : i32
        %add3A_631 = arith.addi %mul3A_259, %add3A_630 : i32
        %get3A_632 = arith.index_cast %add3A_631 : i32 to index
        %get3A_633 = arith.constant 32 : index
        %get3A_634 = tpu.vector_load %arg13[%get3A_632, %get3A_633] {strides = array<i32>} : memref<144x128xf32, #tpu.memory_space<vmem>>, vector<1x16xf32>,
        %get3A_635 = vector.shape_cast %get3A_634 : vector<1x16xf32> to vector<16xf32>
        %add3A_636 = arith.addf %add3A_629, %get3A_635 : vector<16xf32>
        %add3A_637 = arith.constant 6 : i32
        %add3A_638 = arith.addi %mul3A_259, %add3A_637 : i32
        %get3A_639 = arith.index_cast %add3A_638 : i32 to index
        %get3A_640 = arith.constant 32 : index
        %get3A_641 = tpu.vector_load %arg13[%get3A_639, %get3A_640] {strides = array<i32>} : memref<144x128xf32, #tpu.memory_space<vmem>>, vector<1x16xf32>,
        %get3A_642 = vector.shape_cast %get3A_641 : vector<1x16xf32> to vector<16xf32>
        %add3A_643 = arith.addf %add3A_636, %get3A_642 : vector<16xf32>
        %add3A_644 = arith.constant 7 : i32
        %add3A_645 = arith.addi %mul3A_259, %add3A_644 : i32
        %get3A_646 = arith.index_cast %add3A_645 : i32 to index
        %get3A_647 = arith.constant 32 : index
        %get3A_648 = tpu.vector_load %arg13[%get3A_646, %get3A_647] {strides = array<i32>} : memref<144x128xf32, #tpu.memory_space<vmem>>, vector<1x16xf32>,
        %get3A_649 = vector.shape_cast %get3A_648 : vector<1x16xf32> to vector<16xf32>
        %add3A_650 = arith.addf %add3A_643, %get3A_649 : vector<16xf32>
        %add3A_651 = arith.constant 8 : i32
        %add3A_652 = arith.addi %mul3A_259, %add3A_651 : i32
        %get3A_653 = arith.index_cast %add3A_652 : i32 to index
        %get3A_654 = arith.constant 32 : index
        %get3A_655 = tpu.vector_load %arg13[%get3A_653, %get3A_654] {strides = array<i32>} : memref<144x128xf32, #tpu.memory_space<vmem>>, vector<1x16xf32>,
        %get3A_656 = vector.shape_cast %get3A_655 : vector<1x16xf32> to vector<16xf32>
        %add3A_657 = arith.addf %add3A_650, %get3A_656 : vector<16xf32>
        %swap3A_658 = arith.index_cast %scan3A_255 : i32 to index
        %swap3A_659 = arith.constant 32 : index
        %swap3A_660 = tpu.vector_load %arg15[%swap3A_658, %swap3A_659] {strides = array<i32>} : memref<16x64xf32, #tpu.memory_space<vmem>>, vector<1x16xf32>,
        %swap3A_661 = vector.shape_cast %swap3A_660 : vector<1x16xf32> to vector<16xf32>
        %swap3A_662 = vector.shape_cast %add3A_657 : vector<16xf32> to vector<1x16xf32>
        tpu.vector_store %arg15[%swap3A_658, %swap3A_659], %swap3A_662 {strides = array<i32>} : memref<16x64xf32, #tpu.memory_space<vmem>>, vector<1x16xf32>,
        %get3A_663 = arith.index_cast %mul3A_257 : i32 to index
        %get3A_664 = arith.constant 48 : index
        %get3A_665 = tpu.vector_load %arg11[%get3A_663, %get3A_664] {strides = array<i32>} : memref<160x128xf32, #tpu.memory_space<vmem>>, vector<1x16xf32>,
        %get3A_666 = vector.shape_cast %get3A_665 : vector<1x16xf32> to vector<16xf32>
        %add3A_667 = arith.constant 1 : i32
        %add3A_668 = arith.addi %mul3A_257, %add3A_667 : i32
        %get3A_669 = arith.index_cast %add3A_668 : i32 to index
        %get3A_670 = arith.constant 48 : index
        %get3A_671 = tpu.vector_load %arg11[%get3A_669, %get3A_670] {strides = array<i32>} : memref<160x128xf32, #tpu.memory_space<vmem>>, vector<1x16xf32>,
        %get3A_672 = vector.shape_cast %get3A_671 : vector<1x16xf32> to vector<16xf32>
        %add3A_673 = arith.addf %get3A_666, %get3A_672 : vector<16xf32>
        %add3A_674 = arith.constant 2 : i32
        %add3A_675 = arith.addi %mul3A_257, %add3A_674 : i32
        %get3A_676 = arith.index_cast %add3A_675 : i32 to index
        %get3A_677 = arith.constant 48 : index
        %get3A_678 = tpu.vector_load %arg11[%get3A_676, %get3A_677] {strides = array<i32>} : memref<160x128xf32, #tpu.memory_space<vmem>>, vector<1x16xf32>,
        %get3A_679 = vector.shape_cast %get3A_678 : vector<1x16xf32> to vector<16xf32>
        %add3A_680 = arith.addf %add3A_673, %get3A_679 : vector<16xf32>
        %add3A_681 = arith.constant 3 : i32
        %add3A_682 = arith.addi %mul3A_257, %add3A_681 : i32
        %get3A_683 = arith.index_cast %add3A_682 : i32 to index
        %get3A_684 = arith.constant 48 : index
        %get3A_685 = tpu.vector_load %arg11[%get3A_683, %get3A_684] {strides = array<i32>} : memref<160x128xf32, #tpu.memory_space<vmem>>, vector<1x16xf32>,
        %get3A_686 = vector.shape_cast %get3A_685 : vector<1x16xf32> to vector<16xf32>
        %add3A_687 = arith.addf %add3A_680, %get3A_686 : vector<16xf32>
        %add3A_688 = arith.constant 4 : i32
        %add3A_689 = arith.addi %mul3A_257, %add3A_688 : i32
        %get3A_690 = arith.index_cast %add3A_689 : i32 to index
        %get3A_691 = arith.constant 48 : index
        %get3A_692 = tpu.vector_load %arg11[%get3A_690, %get3A_691] {strides = array<i32>} : memref<160x128xf32, #tpu.memory_space<vmem>>, vector<1x16xf32>,
        %get3A_693 = vector.shape_cast %get3A_692 : vector<1x16xf32> to vector<16xf32>
        %add3A_694 = arith.addf %add3A_687, %get3A_693 : vector<16xf32>
        %add3A_695 = arith.constant 5 : i32
        %add3A_696 = arith.addi %mul3A_257, %add3A_695 : i32
        %get3A_697 = arith.index_cast %add3A_696 : i32 to index
        %get3A_698 = arith.constant 48 : index
        %get3A_699 = tpu.vector_load %arg11[%get3A_697, %get3A_698] {strides = array<i32>} : memref<160x128xf32, #tpu.memory_space<vmem>>, vector<1x16xf32>,
        %get3A_700 = vector.shape_cast %get3A_699 : vector<1x16xf32> to vector<16xf32>
        %add3A_701 = arith.addf %add3A_694, %get3A_700 : vector<16xf32>
        %add3A_702 = arith.constant 6 : i32
        %add3A_703 = arith.addi %mul3A_257, %add3A_702 : i32
        %get3A_704 = arith.index_cast %add3A_703 : i32 to index
        %get3A_705 = arith.constant 48 : index
        %get3A_706 = tpu.vector_load %arg11[%get3A_704, %get3A_705] {strides = array<i32>} : memref<160x128xf32, #tpu.memory_space<vmem>>, vector<1x16xf32>,
        %get3A_707 = vector.shape_cast %get3A_706 : vector<1x16xf32> to vector<16xf32>
        %add3A_708 = arith.addf %add3A_701, %get3A_707 : vector<16xf32>
        %add3A_709 = arith.constant 7 : i32
        %add3A_710 = arith.addi %mul3A_257, %add3A_709 : i32
        %get3A_711 = arith.index_cast %add3A_710 : i32 to index
        %get3A_712 = arith.constant 48 : index
        %get3A_713 = tpu.vector_load %arg11[%get3A_711, %get3A_712] {strides = array<i32>} : memref<160x128xf32, #tpu.memory_space<vmem>>, vector<1x16xf32>,
        %get3A_714 = vector.shape_cast %get3A_713 : vector<1x16xf32> to vector<16xf32>
        %add3A_715 = arith.addf %add3A_708, %get3A_714 : vector<16xf32>
        %add3A_716 = arith.constant 8 : i32
        %add3A_717 = arith.addi %mul3A_257, %add3A_716 : i32
        %get3A_718 = arith.index_cast %add3A_717 : i32 to index
        %get3A_719 = arith.constant 48 : index
        %get3A_720 = tpu.vector_load %arg11[%get3A_718, %get3A_719] {strides = array<i32>} : memref<160x128xf32, #tpu.memory_space<vmem>>, vector<1x16xf32>,
        %get3A_721 = vector.shape_cast %get3A_720 : vector<1x16xf32> to vector<16xf32>
        %add3A_722 = arith.addf %add3A_715, %get3A_721 : vector<16xf32>
        %add3A_723 = arith.constant 9 : i32
        %add3A_724 = arith.addi %mul3A_257, %add3A_723 : i32
        %get3A_725 = arith.index_cast %add3A_724 : i32 to index
        %get3A_726 = arith.constant 48 : index
        %get3A_727 = tpu.vector_load %arg11[%get3A_725, %get3A_726] {strides = array<i32>} : memref<160x128xf32, #tpu.memory_space<vmem>>, vector<1x16xf32>,
        %get3A_728 = vector.shape_cast %get3A_727 : vector<1x16xf32> to vector<16xf32>
        %add3A_729 = arith.addf %add3A_722, %get3A_728 : vector<16xf32>
        %add3A_730 = arith.constant 0 : i32
        %add3A_731 = arith.addi %mul3A_259, %add3A_730 : i32
        %get3A_732 = arith.index_cast %add3A_731 : i32 to index
        %get3A_733 = arith.constant 48 : index
        %get3A_734 = tpu.vector_load %arg13[%get3A_732, %get3A_733] {strides = array<i32>} : memref<144x128xf32, #tpu.memory_space<vmem>>, vector<1x16xf32>,
        %get3A_735 = vector.shape_cast %get3A_734 : vector<1x16xf32> to vector<16xf32>
        %add3A_736 = arith.addf %add3A_729, %get3A_735 : vector<16xf32>
        %add3A_737 = arith.constant 1 : i32
        %add3A_738 = arith.addi %mul3A_259, %add3A_737 : i32
        %get3A_739 = arith.index_cast %add3A_738 : i32 to index
        %get3A_740 = arith.constant 48 : index
        %get3A_741 = tpu.vector_load %arg13[%get3A_739, %get3A_740] {strides = array<i32>} : memref<144x128xf32, #tpu.memory_space<vmem>>, vector<1x16xf32>,
        %get3A_742 = vector.shape_cast %get3A_741 : vector<1x16xf32> to vector<16xf32>
        %add3A_743 = arith.addf %add3A_736, %get3A_742 : vector<16xf32>
        %add3A_744 = arith.constant 2 : i32
        %add3A_745 = arith.addi %mul3A_259, %add3A_744 : i32
        %get3A_746 = arith.index_cast %add3A_745 : i32 to index
        %get3A_747 = arith.constant 48 : index
        %get3A_748 = tpu.vector_load %arg13[%get3A_746, %get3A_747] {strides = array<i32>} : memref<144x128xf32, #tpu.memory_space<vmem>>, vector<1x16xf32>,
        %get3A_749 = vector.shape_cast %get3A_748 : vector<1x16xf32> to vector<16xf32>
        %add3A_750 = arith.addf %add3A_743, %get3A_749 : vector<16xf32>
        %add3A_751 = arith.constant 3 : i32
        %add3A_752 = arith.addi %mul3A_259, %add3A_751 : i32
        %get3A_753 = arith.index_cast %add3A_752 : i32 to index
        %get3A_754 = arith.constant 48 : index
        %get3A_755 = tpu.vector_load %arg13[%get3A_753, %get3A_754] {strides = array<i32>} : memref<144x128xf32, #tpu.memory_space<vmem>>, vector<1x16xf32>,
        %get3A_756 = vector.shape_cast %get3A_755 : vector<1x16xf32> to vector<16xf32>
        %add3A_757 = arith.addf %add3A_750, %get3A_756 : vector<16xf32>
        %add3A_758 = arith.constant 4 : i32
        %add3A_759 = arith.addi %mul3A_259, %add3A_758 : i32
        %get3A_760 = arith.index_cast %add3A_759 : i32 to index
        %get3A_761 = arith.constant 48 : index
        %get3A_762 = tpu.vector_load %arg13[%get3A_760, %get3A_761] {strides = array<i32>} : memref<144x128xf32, #tpu.memory_space<vmem>>, vector<1x16xf32>,
        %get3A_763 = vector.shape_cast %get3A_762 : vector<1x16xf32> to vector<16xf32>
        %add3A_764 = arith.addf %add3A_757, %get3A_763 : vector<16xf32>
        %add3A_765 = arith.constant 5 : i32
        %add3A_766 = arith.addi %mul3A_259, %add3A_765 : i32
        %get3A_767 = arith.index_cast %add3A_766 : i32 to index
        %get3A_768 = arith.constant 48 : index
        %get3A_769 = tpu.vector_load %arg13[%get3A_767, %get3A_768] {strides = array<i32>} : memref<144x128xf32, #tpu.memory_space<vmem>>, vector<1x16xf32>,
        %get3A_770 = vector.shape_cast %get3A_769 : vector<1x16xf32> to vector<16xf32>
        %add3A_771 = arith.addf %add3A_764, %get3A_770 : vector<16xf32>
        %add3A_772 = arith.constant 6 : i32
        %add3A_773 = arith.addi %mul3A_259, %add3A_772 : i32
        %get3A_774 = arith.index_cast %add3A_773 : i32 to index
        %get3A_775 = arith.constant 48 : index
        %get3A_776 = tpu.vector_load %arg13[%get3A_774, %get3A_775] {strides = array<i32>} : memref<144x128xf32, #tpu.memory_space<vmem>>, vector<1x16xf32>,
        %get3A_777 = vector.shape_cast %get3A_776 : vector<1x16xf32> to vector<16xf32>
        %add3A_778 = arith.addf %add3A_771, %get3A_777 : vector<16xf32>
        %add3A_779 = arith.constant 7 : i32
        %add3A_780 = arith.addi %mul3A_259, %add3A_779 : i32
        %get3A_781 = arith.index_cast %add3A_780 : i32 to index
        %get3A_782 = arith.constant 48 : index
        %get3A_783 = tpu.vector_load %arg13[%get3A_781, %get3A_782] {strides = array<i32>} : memref<144x128xf32, #tpu.memory_space<vmem>>, vector<1x16xf32>,
        %get3A_784 = vector.shape_cast %get3A_783 : vector<1x16xf32> to vector<16xf32>
        %add3A_785 = arith.addf %add3A_778, %get3A_784 : vector<16xf32>
        %add3A_786 = arith.constant 8 : i32
        %add3A_787 = arith.addi %mul3A_259, %add3A_786 : i32
        %get3A_788 = arith.index_cast %add3A_787 : i32 to index
        %get3A_789 = arith.constant 48 : index
        %get3A_790 = tpu.vector_load %arg13[%get3A_788, %get3A_789] {strides = array<i32>} : memref<144x128xf32, #tpu.memory_space<vmem>>, vector<1x16xf32>,
        %get3A_791 = vector.shape_cast %get3A_790 : vector<1x16xf32> to vector<16xf32>
        %add3A_792 = arith.addf %add3A_785, %get3A_791 : vector<16xf32>
        %swap3A_793 = arith.index_cast %scan3A_255 : i32 to index
        %swap3A_794 = arith.constant 48 : index
        %swap3A_795 = tpu.vector_load %arg15[%swap3A_793, %swap3A_794] {strides = array<i32>} : memref<16x64xf32, #tpu.memory_space<vmem>>, vector<1x16xf32>,
        %swap3A_796 = vector.shape_cast %swap3A_795 : vector<1x16xf32> to vector<16xf32>
        %swap3A_797 = vector.shape_cast %add3A_792 : vector<16xf32> to vector<1x16xf32>
        tpu.vector_store %arg15[%swap3A_793, %swap3A_794], %swap3A_797 {strides = array<i32>} : memref<16x64xf32, #tpu.memory_space<vmem>>, vector<1x16xf32>,
      }
      %scan3A_175 = arith.constant 16 : i32
      %mul3A_176 = arith.constant 16 : i32
      %mul3A_177 = arith.muli %mul3A_69, %mul3A_176 : i32
      %add3A_178 = arith.addi %mul3A_2, %mul3A_177 : i32
      %multiple_of3A_179 = tpu.assume_multiple %add3A_178, 16 : i32
      %dma_start3A_180 = arith.constant 0 : i32
      %dma_start3A_181 = tpu.memref_slice %arg7[%multiple_of3A_179, %dma_start3A_180] : memref<16384x64xf32, #tpu.memory_space<hbm>> -> memref<16x64xf32, #tpu.memory_space<hbm>>
      %dma_start3A_182 = arith.constant 0 : i32
      %dma_start3A_183 = tpu.memref_slice %arg7[%multiple_of3A_179, %dma_start3A_182] : memref<16384x64xf32, #tpu.memory_space<hbm>> -> memref<16x64xf32, #tpu.memory_space<hbm>>
      tpu.enqueue_dma source(%arg15 : memref<16x64xf32, #tpu.memory_space<vmem>>) target(%dma_start3A_183 : memref<16x64xf32, #tpu.memory_space<hbm>>) target_semaphore(%arg19 : memref<!tpu.dma_semaphore, #tpu.memory_space<semaphore_mem>>)
      %lt3A = arith.constant 15 : i32
      %lt3A_184 = arith.cmpi slt, %scan3A_67, %lt3A : i32
      %convert_element_type3A_185 = arith.extui %lt3A_184 : i1 to i32
      %cond3A_186 = arith.constant 0 : i32
      %cond3A_187 = arith.cmpi ne, %convert_element_type3A_185, %cond3A_186 : i32
      scf.if %cond3A_187 {
        %add3A_255 = arith.constant 2 : i32
        %add3A_256 = arith.addi %mul3A_69, %add3A_255 : i32
        %mul3A_257 = arith.constant 160 : i32
        %mul3A_258 = arith.muli %add3A_256, %mul3A_257 : i32
        %add3A_259 = arith.constant 0 : i32
        %add3A_260 = arith.addi %mul3A_258, %add3A_259 : i32
        %multiple_of3A_261 = tpu.assume_multiple %add3A_260, 8 : i32
        %dma_start3A_262 = arith.constant 0 : i32
        %dma_start3A_263 = arith.constant 0 : i32
        %dma_start3A_264 = tpu.memref_slice %arg11[%dma_start3A_262, %dma_start3A_263] : memref<160x128xf32, #tpu.memory_space<vmem>> -> memref<128x128xf32, #tpu.memory_space<vmem>>
        %dma_start3A_265 = tpu.memref_slice %arg8[%multiple_of3A_261] : memref<5120xi32, #tpu.memory_space<vmem>> -> memref<128xi32, #tpu.memory_space<vmem>>
        %dma_start3A_266 = arith.constant 0 : i32
        %dma_start3A_267 = arith.constant 0 : i32
        %dma_start3A_268 = tpu.memref_slice %arg5[%dma_start3A_266, %dma_start3A_267] : memref<1000000x128xf32, #tpu.memory_space<hbm>> -> memref<1000000x128xf32, #tpu.memory_space<hbm>>
        tpu.enqueue_indirect_dma source(%dma_start3A_268 : memref<1000000x128xf32, #tpu.memory_space<hbm>>) target(%dma_start3A_264 : memref<128x128xf32, #tpu.memory_space<vmem>>) offsets(%dma_start3A_265 : memref<128xi32, #tpu.memory_space<vmem>>) semaphore(%arg17 : memref<!tpu.dma_semaphore, #tpu.memory_space<semaphore_mem>>)
        %mul3A_269 = arith.constant 160 : i32
        %mul3A_270 = arith.muli %add3A_256, %mul3A_269 : i32
        %add3A_271 = arith.constant 128 : i32
        %add3A_272 = arith.addi %mul3A_270, %add3A_271 : i32
        %multiple_of3A_273 = tpu.assume_multiple %add3A_272, 8 : i32
        %dma_start3A_274 = arith.constant 128 : i32
        %dma_start3A_275 = arith.constant 0 : i32
        %dma_start3A_276 = tpu.memref_slice %arg11[%dma_start3A_274, %dma_start3A_275] : memref<160x128xf32, #tpu.memory_space<vmem>> -> memref<32x128xf32, #tpu.memory_space<vmem>>
        %dma_start3A_277 = tpu.memref_slice %arg8[%multiple_of3A_273] : memref<5120xi32, #tpu.memory_space<vmem>> -> memref<32xi32, #tpu.memory_space<vmem>>
        %dma_start3A_278 = arith.constant 0 : i32
        %dma_start3A_279 = arith.constant 0 : i32
        %dma_start3A_280 = tpu.memref_slice %arg5[%dma_start3A_278, %dma_start3A_279] : memref<1000000x128xf32, #tpu.memory_space<hbm>> -> memref<1000000x128xf32, #tpu.memory_space<hbm>>
        tpu.enqueue_indirect_dma source(%dma_start3A_280 : memref<1000000x128xf32, #tpu.memory_space<hbm>>) target(%dma_start3A_276 : memref<32x128xf32, #tpu.memory_space<vmem>>) offsets(%dma_start3A_277 : memref<32xi32, #tpu.memory_space<vmem>>) semaphore(%arg17 : memref<!tpu.dma_semaphore, #tpu.memory_space<semaphore_mem>>)
        %mul3A_281 = arith.constant 144 : i32
        %mul3A_282 = arith.muli %add3A_256, %mul3A_281 : i32
        %add3A_283 = arith.constant 0 : i32
        %add3A_284 = arith.addi %mul3A_282, %add3A_283 : i32
        %multiple_of3A_285 = tpu.assume_multiple %add3A_284, 8 : i32
        %dma_start3A_286 = arith.constant 0 : i32
        %dma_start3A_287 = arith.constant 0 : i32
        %dma_start3A_288 = tpu.memref_slice %arg13[%dma_start3A_286, %dma_start3A_287] : memref<144x128xf32, #tpu.memory_space<vmem>> -> memref<128x128xf32, #tpu.memory_space<vmem>>
        %dma_start3A_289 = tpu.memref_slice %arg9[%multiple_of3A_285] : memref<4608xi32, #tpu.memory_space<vmem>> -> memref<128xi32, #tpu.memory_space<vmem>>
        %dma_start3A_290 = arith.constant 0 : i32
        %dma_start3A_291 = arith.constant 0 : i32
        %dma_start3A_292 = tpu.memref_slice %arg6[%dma_start3A_290, %dma_start3A_291] : memref<264x128xf32, #tpu.memory_space<hbm>> -> memref<264x128xf32, #tpu.memory_space<hbm>>
        tpu.enqueue_indirect_dma source(%dma_start3A_292 : memref<264x128xf32, #tpu.memory_space<hbm>>) target(%dma_start3A_288 : memref<128x128xf32, #tpu.memory_space<vmem>>) offsets(%dma_start3A_289 : memref<128xi32, #tpu.memory_space<vmem>>) semaphore(%arg17 : memref<!tpu.dma_semaphore, #tpu.memory_space<semaphore_mem>>)
        %mul3A_293 = arith.constant 144 : i32
        %mul3A_294 = arith.muli %add3A_256, %mul3A_293 : i32
        %add3A_295 = arith.constant 128 : i32
        %add3A_296 = arith.addi %mul3A_294, %add3A_295 : i32
        %multiple_of3A_297 = tpu.assume_multiple %add3A_296, 8 : i32
        %dma_start3A_298 = arith.constant 128 : i32
        %dma_start3A_299 = arith.constant 0 : i32
        %dma_start3A_300 = tpu.memref_slice %arg13[%dma_start3A_298, %dma_start3A_299] : memref<144x128xf32, #tpu.memory_space<vmem>> -> memref<16x128xf32, #tpu.memory_space<vmem>>
        %dma_start3A_301 = tpu.memref_slice %arg9[%multiple_of3A_297] : memref<4608xi32, #tpu.memory_space<vmem>> -> memref<16xi32, #tpu.memory_space<vmem>>
        %dma_start3A_302 = arith.constant 0 : i32
        %dma_start3A_303 = arith.constant 0 : i32
        %dma_start3A_304 = tpu.memref_slice %arg6[%dma_start3A_302, %dma_start3A_303] : memref<264x128xf32, #tpu.memory_space<hbm>> -> memref<264x128xf32, #tpu.memory_space<hbm>>
        tpu.enqueue_indirect_dma source(%dma_start3A_304 : memref<264x128xf32, #tpu.memory_space<hbm>>) target(%dma_start3A_300 : memref<16x128xf32, #tpu.memory_space<vmem>>) offsets(%dma_start3A_301 : memref<16xi32, #tpu.memory_space<vmem>>) semaphore(%arg17 : memref<!tpu.dma_semaphore, #tpu.memory_space<semaphore_mem>>)
      } else {
      }
      %mul3A_188 = arith.constant 160 : i32
      %mul3A_189 = arith.muli %add3A_71, %mul3A_188 : i32
      %add3A_190 = arith.constant 0 : i32
      %add3A_191 = arith.addi %mul3A_189, %add3A_190 : i32
      %multiple_of3A_192 = tpu.assume_multiple %add3A_191, 8 : i32
      %dma_wait3A_193 = arith.constant 0 : i32
      %dma_wait3A_194 = arith.constant 0 : i32
      %dma_wait3A_195 = tpu.memref_slice %arg12[%dma_wait3A_193, %dma_wait3A_194] : memref<160x128xf32, #tpu.memory_space<vmem>> -> memref<128x128xf32, #tpu.memory_space<vmem>>
      %dma_wait3A_196 = tpu.memref_slice %arg8[%multiple_of3A_192] : memref<5120xi32, #tpu.memory_space<vmem>> -> memref<128xi32, #tpu.memory_space<vmem>>
      %dma_wait3A_197 = arith.constant 0 : i32
      %dma_wait3A_198 = arith.constant 0 : i32
      %dma_wait3A_199 = tpu.memref_slice %arg5[%dma_wait3A_197, %dma_wait3A_198] : memref<1000000x128xf32, #tpu.memory_space<hbm>> -> memref<1000000x128xf32, #tpu.memory_space<hbm>>
      tpu.wait_indirect_dma semaphore(%arg18 : memref<!tpu.dma_semaphore, #tpu.memory_space<semaphore_mem>>) src(%dma_wait3A_199 : memref<1000000x128xf32, #tpu.memory_space<hbm>>) dst(%dma_wait3A_195 : memref<128x128xf32, #tpu.memory_space<vmem>>)
      %mul3A_200 = arith.constant 160 : i32
      %mul3A_201 = arith.muli %add3A_71, %mul3A_200 : i32
      %add3A_202 = arith.constant 128 : i32
      %add3A_203 = arith.addi %mul3A_201, %add3A_202 : i32
      %multiple_of3A_204 = tpu.assume_multiple %add3A_203, 8 : i32
      %dma_wait3A_205 = arith.constant 128 : i32
      %dma_wait3A_206 = arith.constant 0 : i32
      %dma_wait3A_207 = tpu.memref_slice %arg12[%dma_wait3A_205, %dma_wait3A_206] : memref<160x128xf32, #tpu.memory_space<vmem>> -> memref<32x128xf32, #tpu.memory_space<vmem>>
      %dma_wait3A_208 = tpu.memref_slice %arg8[%multiple_of3A_204] : memref<5120xi32, #tpu.memory_space<vmem>> -> memref<32xi32, #tpu.memory_space<vmem>>
      %dma_wait3A_209 = arith.constant 0 : i32
      %dma_wait3A_210 = arith.constant 0 : i32
      %dma_wait3A_211 = tpu.memref_slice %arg5[%dma_wait3A_209, %dma_wait3A_210] : memref<1000000x128xf32, #tpu.memory_space<hbm>> -> memref<1000000x128xf32, #tpu.memory_space<hbm>>
      tpu.wait_indirect_dma semaphore(%arg18 : memref<!tpu.dma_semaphore, #tpu.memory_space<semaphore_mem>>) src(%dma_wait3A_211 : memref<1000000x128xf32, #tpu.memory_space<hbm>>) dst(%dma_wait3A_207 : memref<32x128xf32, #tpu.memory_space<vmem>>)
      %mul3A_212 = arith.constant 144 : i32
      %mul3A_213 = arith.muli %add3A_71, %mul3A_212 : i32
      %add3A_214 = arith.constant 0 : i32
      %add3A_215 = arith.addi %mul3A_213, %add3A_214 : i32
      %multiple_of3A_216 = tpu.assume_multiple %add3A_215, 8 : i32
      %dma_wait3A_217 = arith.constant 0 : i32
      %dma_wait3A_218 = arith.constant 0 : i32
      %dma_wait3A_219 = tpu.memref_slice %arg14[%dma_wait3A_217, %dma_wait3A_218] : memref<144x128xf32, #tpu.memory_space<vmem>> -> memref<128x128xf32, #tpu.memory_space<vmem>>
      %dma_wait3A_220 = tpu.memref_slice %arg9[%multiple_of3A_216] : memref<4608xi32, #tpu.memory_space<vmem>> -> memref<128xi32, #tpu.memory_space<vmem>>
      %dma_wait3A_221 = arith.constant 0 : i32
      %dma_wait3A_222 = arith.constant 0 : i32
      %dma_wait3A_223 = tpu.memref_slice %arg6[%dma_wait3A_221, %dma_wait3A_222] : memref<264x128xf32, #tpu.memory_space<hbm>> -> memref<264x128xf32, #tpu.memory_space<hbm>>
      tpu.wait_indirect_dma semaphore(%arg18 : memref<!tpu.dma_semaphore, #tpu.memory_space<semaphore_mem>>) src(%dma_wait3A_223 : memref<264x128xf32, #tpu.memory_space<hbm>>) dst(%dma_wait3A_219 : memref<128x128xf32, #tpu.memory_space<vmem>>)
      %mul3A_224 = arith.constant 144 : i32
      %mul3A_225 = arith.muli %add3A_71, %mul3A_224 : i32
      %add3A_226 = arith.constant 128 : i32
      %add3A_227 = arith.addi %mul3A_225, %add3A_226 : i32
      %multiple_of3A_228 = tpu.assume_multiple %add3A_227, 8 : i32
      %dma_wait3A_229 = arith.constant 128 : i32
      %dma_wait3A_230 = arith.constant 0 : i32
      %dma_wait3A_231 = tpu.memref_slice %arg14[%dma_wait3A_229, %dma_wait3A_230] : memref<144x128xf32, #tpu.memory_space<vmem>> -> memref<16x128xf32, #tpu.memory_space<vmem>>
      %dma_wait3A_232 = tpu.memref_slice %arg9[%multiple_of3A_228] : memref<4608xi32, #tpu.memory_space<vmem>> -> memref<16xi32, #tpu.memory_space<vmem>>
      %dma_wait3A_233 = arith.constant 0 : i32
      %dma_wait3A_234 = arith.constant 0 : i32
      %dma_wait3A_235 = tpu.memref_slice %arg6[%dma_wait3A_233, %dma_wait3A_234] : memref<264x128xf32, #tpu.memory_space<hbm>> -> memref<264x128xf32, #tpu.memory_space<hbm>>
      tpu.wait_indirect_dma semaphore(%arg18 : memref<!tpu.dma_semaphore, #tpu.memory_space<semaphore_mem>>) src(%dma_wait3A_235 : memref<264x128xf32, #tpu.memory_space<hbm>>) dst(%dma_wait3A_231 : memref<16x128xf32, #tpu.memory_space<vmem>>)
      %gt3A_236 = arith.constant 0 : i32
      %gt3A_237 = arith.cmpi sgt, %scan3A_67, %gt3A_236 : i32
      %convert_element_type3A_238 = arith.extui %gt3A_237 : i1 to i32
      %cond3A_239 = arith.constant 0 : i32
      %cond3A_240 = arith.cmpi ne, %convert_element_type3A_238, %cond3A_239 : i32
      scf.if %cond3A_240 {
        %sub3A = arith.constant 2 : i32
        %sub3A_255 = arith.subi %add3A_71, %sub3A : i32
        %mul3A_256 = arith.constant 16 : i32
        %mul3A_257 = arith.muli %sub3A_255, %mul3A_256 : i32
        %add3A_258 = arith.addi %mul3A_2, %mul3A_257 : i32
        %multiple_of3A_259 = tpu.assume_multiple %add3A_258, 16 : i32
        %dma_wait3A_260 = arith.constant 0 : i32
        %dma_wait3A_261 = tpu.memref_slice %arg7[%multiple_of3A_259, %dma_wait3A_260] : memref<16384x64xf32, #tpu.memory_space<hbm>> -> memref<16x64xf32, #tpu.memory_space<hbm>>
        %dma_wait3A_262 = arith.constant 0 : i32
        %dma_wait3A_263 = tpu.memref_slice %arg7[%multiple_of3A_259, %dma_wait3A_262] : memref<16384x64xf32, #tpu.memory_space<hbm>> -> memref<16x64xf32, #tpu.memory_space<hbm>>
        tpu.wait_dma2 semaphore(%arg20 : memref<!tpu.dma_semaphore, #tpu.memory_space<semaphore_mem>>) src(%arg16 : memref<16x64xf32, #tpu.memory_space<vmem>>) dst(%dma_wait3A_263 : memref<16x64xf32, #tpu.memory_space<hbm>>)
      } else {
      }
      %scan3A_241 = arith.constant 0 : i32
      %scan3A_242 = arith.constant 0 : i32
      %scan3A_243 = arith.constant 16 : i32
      %scan3A_244 = arith.addi %scan3A_242, %scan3A_243 : i32
      %scan3A_245 = arith.constant 1 : i32
      scf.for %scan3A_255 = %scan3A_242 to %scan3A_244 step %scan3A_245  : i32 {
        %mul3A_256 = arith.constant 10 : i32
        %mul3A_257 = arith.muli %scan3A_255, %mul3A_256 : i32
        %mul3A_258 = arith.constant 9 : i32
        %mul3A_259 = arith.muli %scan3A_255, %mul3A_258 : i32
        %get3A = arith.index_cast %mul3A_257 : i32 to index
        %get3A_260 = arith.constant 0 : index
        %get3A_261 = tpu.vector_load %arg12[%get3A, %get3A_260] {strides = array<i32>} : memref<160x128xf32, #tpu.memory_space<vmem>>, vector<1x16xf32>,
        %get3A_262 = vector.shape_cast %get3A_261 : vector<1x16xf32> to vector<16xf32>
        %add3A_263 = arith.constant 1 : i32
        %add3A_264 = arith.addi %mul3A_257, %add3A_263 : i32
        %get3A_265 = arith.index_cast %add3A_264 : i32 to index
        %get3A_266 = arith.constant 0 : index
        %get3A_267 = tpu.vector_load %arg12[%get3A_265, %get3A_266] {strides = array<i32>} : memref<160x128xf32, #tpu.memory_space<vmem>>, vector<1x16xf32>,
        %get3A_268 = vector.shape_cast %get3A_267 : vector<1x16xf32> to vector<16xf32>
        %add3A_269 = arith.addf %get3A_262, %get3A_268 : vector<16xf32>
        %add3A_270 = arith.constant 2 : i32
        %add3A_271 = arith.addi %mul3A_257, %add3A_270 : i32
        %get3A_272 = arith.index_cast %add3A_271 : i32 to index
        %get3A_273 = arith.constant 0 : index
        %get3A_274 = tpu.vector_load %arg12[%get3A_272, %get3A_273] {strides = array<i32>} : memref<160x128xf32, #tpu.memory_space<vmem>>, vector<1x16xf32>,
        %get3A_275 = vector.shape_cast %get3A_274 : vector<1x16xf32> to vector<16xf32>
        %add3A_276 = arith.addf %add3A_269, %get3A_275 : vector<16xf32>
        %add3A_277 = arith.constant 3 : i32
        %add3A_278 = arith.addi %mul3A_257, %add3A_277 : i32
        %get3A_279 = arith.index_cast %add3A_278 : i32 to index
        %get3A_280 = arith.constant 0 : index
        %get3A_281 = tpu.vector_load %arg12[%get3A_279, %get3A_280] {strides = array<i32>} : memref<160x128xf32, #tpu.memory_space<vmem>>, vector<1x16xf32>,
        %get3A_282 = vector.shape_cast %get3A_281 : vector<1x16xf32> to vector<16xf32>
        %add3A_283 = arith.addf %add3A_276, %get3A_282 : vector<16xf32>
        %add3A_284 = arith.constant 4 : i32
        %add3A_285 = arith.addi %mul3A_257, %add3A_284 : i32
        %get3A_286 = arith.index_cast %add3A_285 : i32 to index
        %get3A_287 = arith.constant 0 : index
        %get3A_288 = tpu.vector_load %arg12[%get3A_286, %get3A_287] {strides = array<i32>} : memref<160x128xf32, #tpu.memory_space<vmem>>, vector<1x16xf32>,
        %get3A_289 = vector.shape_cast %get3A_288 : vector<1x16xf32> to vector<16xf32>
        %add3A_290 = arith.addf %add3A_283, %get3A_289 : vector<16xf32>
        %add3A_291 = arith.constant 5 : i32
        %add3A_292 = arith.addi %mul3A_257, %add3A_291 : i32
        %get3A_293 = arith.index_cast %add3A_292 : i32 to index
        %get3A_294 = arith.constant 0 : index
        %get3A_295 = tpu.vector_load %arg12[%get3A_293, %get3A_294] {strides = array<i32>} : memref<160x128xf32, #tpu.memory_space<vmem>>, vector<1x16xf32>,
        %get3A_296 = vector.shape_cast %get3A_295 : vector<1x16xf32> to vector<16xf32>
        %add3A_297 = arith.addf %add3A_290, %get3A_296 : vector<16xf32>
        %add3A_298 = arith.constant 6 : i32
        %add3A_299 = arith.addi %mul3A_257, %add3A_298 : i32
        %get3A_300 = arith.index_cast %add3A_299 : i32 to index
        %get3A_301 = arith.constant 0 : index
        %get3A_302 = tpu.vector_load %arg12[%get3A_300, %get3A_301] {strides = array<i32>} : memref<160x128xf32, #tpu.memory_space<vmem>>, vector<1x16xf32>,
        %get3A_303 = vector.shape_cast %get3A_302 : vector<1x16xf32> to vector<16xf32>
        %add3A_304 = arith.addf %add3A_297, %get3A_303 : vector<16xf32>
        %add3A_305 = arith.constant 7 : i32
        %add3A_306 = arith.addi %mul3A_257, %add3A_305 : i32
        %get3A_307 = arith.index_cast %add3A_306 : i32 to index
        %get3A_308 = arith.constant 0 : index
        %get3A_309 = tpu.vector_load %arg12[%get3A_307, %get3A_308] {strides = array<i32>} : memref<160x128xf32, #tpu.memory_space<vmem>>, vector<1x16xf32>,
        %get3A_310 = vector.shape_cast %get3A_309 : vector<1x16xf32> to vector<16xf32>
        %add3A_311 = arith.addf %add3A_304, %get3A_310 : vector<16xf32>
        %add3A_312 = arith.constant 8 : i32
        %add3A_313 = arith.addi %mul3A_257, %add3A_312 : i32
        %get3A_314 = arith.index_cast %add3A_313 : i32 to index
        %get3A_315 = arith.constant 0 : index
        %get3A_316 = tpu.vector_load %arg12[%get3A_314, %get3A_315] {strides = array<i32>} : memref<160x128xf32, #tpu.memory_space<vmem>>, vector<1x16xf32>,
        %get3A_317 = vector.shape_cast %get3A_316 : vector<1x16xf32> to vector<16xf32>
        %add3A_318 = arith.addf %add3A_311, %get3A_317 : vector<16xf32>
        %add3A_319 = arith.constant 9 : i32
        %add3A_320 = arith.addi %mul3A_257, %add3A_319 : i32
        %get3A_321 = arith.index_cast %add3A_320 : i32 to index
        %get3A_322 = arith.constant 0 : index
        %get3A_323 = tpu.vector_load %arg12[%get3A_321, %get3A_322] {strides = array<i32>} : memref<160x128xf32, #tpu.memory_space<vmem>>, vector<1x16xf32>,
        %get3A_324 = vector.shape_cast %get3A_323 : vector<1x16xf32> to vector<16xf32>
        %add3A_325 = arith.addf %add3A_318, %get3A_324 : vector<16xf32>
        %add3A_326 = arith.constant 0 : i32
        %add3A_327 = arith.addi %mul3A_259, %add3A_326 : i32
        %get3A_328 = arith.index_cast %add3A_327 : i32 to index
        %get3A_329 = arith.constant 0 : index
        %get3A_330 = tpu.vector_load %arg14[%get3A_328, %get3A_329] {strides = array<i32>} : memref<144x128xf32, #tpu.memory_space<vmem>>, vector<1x16xf32>,
        %get3A_331 = vector.shape_cast %get3A_330 : vector<1x16xf32> to vector<16xf32>
        %add3A_332 = arith.addf %add3A_325, %get3A_331 : vector<16xf32>
        %add3A_333 = arith.constant 1 : i32
        %add3A_334 = arith.addi %mul3A_259, %add3A_333 : i32
        %get3A_335 = arith.index_cast %add3A_334 : i32 to index
        %get3A_336 = arith.constant 0 : index
        %get3A_337 = tpu.vector_load %arg14[%get3A_335, %get3A_336] {strides = array<i32>} : memref<144x128xf32, #tpu.memory_space<vmem>>, vector<1x16xf32>,
        %get3A_338 = vector.shape_cast %get3A_337 : vector<1x16xf32> to vector<16xf32>
        %add3A_339 = arith.addf %add3A_332, %get3A_338 : vector<16xf32>
        %add3A_340 = arith.constant 2 : i32
        %add3A_341 = arith.addi %mul3A_259, %add3A_340 : i32
        %get3A_342 = arith.index_cast %add3A_341 : i32 to index
        %get3A_343 = arith.constant 0 : index
        %get3A_344 = tpu.vector_load %arg14[%get3A_342, %get3A_343] {strides = array<i32>} : memref<144x128xf32, #tpu.memory_space<vmem>>, vector<1x16xf32>,
        %get3A_345 = vector.shape_cast %get3A_344 : vector<1x16xf32> to vector<16xf32>
        %add3A_346 = arith.addf %add3A_339, %get3A_345 : vector<16xf32>
        %add3A_347 = arith.constant 3 : i32
        %add3A_348 = arith.addi %mul3A_259, %add3A_347 : i32
        %get3A_349 = arith.index_cast %add3A_348 : i32 to index
        %get3A_350 = arith.constant 0 : index
        %get3A_351 = tpu.vector_load %arg14[%get3A_349, %get3A_350] {strides = array<i32>} : memref<144x128xf32, #tpu.memory_space<vmem>>, vector<1x16xf32>,
        %get3A_352 = vector.shape_cast %get3A_351 : vector<1x16xf32> to vector<16xf32>
        %add3A_353 = arith.addf %add3A_346, %get3A_352 : vector<16xf32>
        %add3A_354 = arith.constant 4 : i32
        %add3A_355 = arith.addi %mul3A_259, %add3A_354 : i32
        %get3A_356 = arith.index_cast %add3A_355 : i32 to index
        %get3A_357 = arith.constant 0 : index
        %get3A_358 = tpu.vector_load %arg14[%get3A_356, %get3A_357] {strides = array<i32>} : memref<144x128xf32, #tpu.memory_space<vmem>>, vector<1x16xf32>,
        %get3A_359 = vector.shape_cast %get3A_358 : vector<1x16xf32> to vector<16xf32>
        %add3A_360 = arith.addf %add3A_353, %get3A_359 : vector<16xf32>
        %add3A_361 = arith.constant 5 : i32
        %add3A_362 = arith.addi %mul3A_259, %add3A_361 : i32
        %get3A_363 = arith.index_cast %add3A_362 : i32 to index
        %get3A_364 = arith.constant 0 : index
        %get3A_365 = tpu.vector_load %arg14[%get3A_363, %get3A_364] {strides = array<i32>} : memref<144x128xf32, #tpu.memory_space<vmem>>, vector<1x16xf32>,
        %get3A_366 = vector.shape_cast %get3A_365 : vector<1x16xf32> to vector<16xf32>
        %add3A_367 = arith.addf %add3A_360, %get3A_366 : vector<16xf32>
        %add3A_368 = arith.constant 6 : i32
        %add3A_369 = arith.addi %mul3A_259, %add3A_368 : i32
        %get3A_370 = arith.index_cast %add3A_369 : i32 to index
        %get3A_371 = arith.constant 0 : index
        %get3A_372 = tpu.vector_load %arg14[%get3A_370, %get3A_371] {strides = array<i32>} : memref<144x128xf32, #tpu.memory_space<vmem>>, vector<1x16xf32>,
        %get3A_373 = vector.shape_cast %get3A_372 : vector<1x16xf32> to vector<16xf32>
        %add3A_374 = arith.addf %add3A_367, %get3A_373 : vector<16xf32>
        %add3A_375 = arith.constant 7 : i32
        %add3A_376 = arith.addi %mul3A_259, %add3A_375 : i32
        %get3A_377 = arith.index_cast %add3A_376 : i32 to index
        %get3A_378 = arith.constant 0 : index
        %get3A_379 = tpu.vector_load %arg14[%get3A_377, %get3A_378] {strides = array<i32>} : memref<144x128xf32, #tpu.memory_space<vmem>>, vector<1x16xf32>,
        %get3A_380 = vector.shape_cast %get3A_379 : vector<1x16xf32> to vector<16xf32>
        %add3A_381 = arith.addf %add3A_374, %get3A_380 : vector<16xf32>
        %add3A_382 = arith.constant 8 : i32
        %add3A_383 = arith.addi %mul3A_259, %add3A_382 : i32
        %get3A_384 = arith.index_cast %add3A_383 : i32 to index
        %get3A_385 = arith.constant 0 : index
        %get3A_386 = tpu.vector_load %arg14[%get3A_384, %get3A_385] {strides = array<i32>} : memref<144x128xf32, #tpu.memory_space<vmem>>, vector<1x16xf32>,
        %get3A_387 = vector.shape_cast %get3A_386 : vector<1x16xf32> to vector<16xf32>
        %add3A_388 = arith.addf %add3A_381, %get3A_387 : vector<16xf32>
        %swap3A = arith.index_cast %scan3A_255 : i32 to index
        %swap3A_389 = arith.constant 0 : index
        %swap3A_390 = tpu.vector_load %arg16[%swap3A, %swap3A_389] {strides = array<i32>} : memref<16x64xf32, #tpu.memory_space<vmem>>, vector<1x16xf32>,
        %swap3A_391 = vector.shape_cast %swap3A_390 : vector<1x16xf32> to vector<16xf32>
        %swap3A_392 = vector.shape_cast %add3A_388 : vector<16xf32> to vector<1x16xf32>
        tpu.vector_store %arg16[%swap3A, %swap3A_389], %swap3A_392 {strides = array<i32>} : memref<16x64xf32, #tpu.memory_space<vmem>>, vector<1x16xf32>,
        %get3A_393 = arith.index_cast %mul3A_257 : i32 to index
        %get3A_394 = arith.constant 16 : index
        %get3A_395 = tpu.vector_load %arg12[%get3A_393, %get3A_394] {strides = array<i32>} : memref<160x128xf32, #tpu.memory_space<vmem>>, vector<1x16xf32>,
        %get3A_396 = vector.shape_cast %get3A_395 : vector<1x16xf32> to vector<16xf32>
        %add3A_397 = arith.constant 1 : i32
        %add3A_398 = arith.addi %mul3A_257, %add3A_397 : i32
        %get3A_399 = arith.index_cast %add3A_398 : i32 to index
        %get3A_400 = arith.constant 16 : index
        %get3A_401 = tpu.vector_load %arg12[%get3A_399, %get3A_400] {strides = array<i32>} : memref<160x128xf32, #tpu.memory_space<vmem>>, vector<1x16xf32>,
        %get3A_402 = vector.shape_cast %get3A_401 : vector<1x16xf32> to vector<16xf32>
        %add3A_403 = arith.addf %get3A_396, %get3A_402 : vector<16xf32>
        %add3A_404 = arith.constant 2 : i32
        %add3A_405 = arith.addi %mul3A_257, %add3A_404 : i32
        %get3A_406 = arith.index_cast %add3A_405 : i32 to index
        %get3A_407 = arith.constant 16 : index
        %get3A_408 = tpu.vector_load %arg12[%get3A_406, %get3A_407] {strides = array<i32>} : memref<160x128xf32, #tpu.memory_space<vmem>>, vector<1x16xf32>,
        %get3A_409 = vector.shape_cast %get3A_408 : vector<1x16xf32> to vector<16xf32>
        %add3A_410 = arith.addf %add3A_403, %get3A_409 : vector<16xf32>
        %add3A_411 = arith.constant 3 : i32
        %add3A_412 = arith.addi %mul3A_257, %add3A_411 : i32
        %get3A_413 = arith.index_cast %add3A_412 : i32 to index
        %get3A_414 = arith.constant 16 : index
        %get3A_415 = tpu.vector_load %arg12[%get3A_413, %get3A_414] {strides = array<i32>} : memref<160x128xf32, #tpu.memory_space<vmem>>, vector<1x16xf32>,
        %get3A_416 = vector.shape_cast %get3A_415 : vector<1x16xf32> to vector<16xf32>
        %add3A_417 = arith.addf %add3A_410, %get3A_416 : vector<16xf32>
        %add3A_418 = arith.constant 4 : i32
        %add3A_419 = arith.addi %mul3A_257, %add3A_418 : i32
        %get3A_420 = arith.index_cast %add3A_419 : i32 to index
        %get3A_421 = arith.constant 16 : index
        %get3A_422 = tpu.vector_load %arg12[%get3A_420, %get3A_421] {strides = array<i32>} : memref<160x128xf32, #tpu.memory_space<vmem>>, vector<1x16xf32>,
        %get3A_423 = vector.shape_cast %get3A_422 : vector<1x16xf32> to vector<16xf32>
        %add3A_424 = arith.addf %add3A_417, %get3A_423 : vector<16xf32>
        %add3A_425 = arith.constant 5 : i32
        %add3A_426 = arith.addi %mul3A_257, %add3A_425 : i32
        %get3A_427 = arith.index_cast %add3A_426 : i32 to index
        %get3A_428 = arith.constant 16 : index
        %get3A_429 = tpu.vector_load %arg12[%get3A_427, %get3A_428] {strides = array<i32>} : memref<160x128xf32, #tpu.memory_space<vmem>>, vector<1x16xf32>,
        %get3A_430 = vector.shape_cast %get3A_429 : vector<1x16xf32> to vector<16xf32>
        %add3A_431 = arith.addf %add3A_424, %get3A_430 : vector<16xf32>
        %add3A_432 = arith.constant 6 : i32
        %add3A_433 = arith.addi %mul3A_257, %add3A_432 : i32
        %get3A_434 = arith.index_cast %add3A_433 : i32 to index
        %get3A_435 = arith.constant 16 : index
        %get3A_436 = tpu.vector_load %arg12[%get3A_434, %get3A_435] {strides = array<i32>} : memref<160x128xf32, #tpu.memory_space<vmem>>, vector<1x16xf32>,
        %get3A_437 = vector.shape_cast %get3A_436 : vector<1x16xf32> to vector<16xf32>
        %add3A_438 = arith.addf %add3A_431, %get3A_437 : vector<16xf32>
        %add3A_439 = arith.constant 7 : i32
        %add3A_440 = arith.addi %mul3A_257, %add3A_439 : i32
        %get3A_441 = arith.index_cast %add3A_440 : i32 to index
        %get3A_442 = arith.constant 16 : index
        %get3A_443 = tpu.vector_load %arg12[%get3A_441, %get3A_442] {strides = array<i32>} : memref<160x128xf32, #tpu.memory_space<vmem>>, vector<1x16xf32>,
        %get3A_444 = vector.shape_cast %get3A_443 : vector<1x16xf32> to vector<16xf32>
        %add3A_445 = arith.addf %add3A_438, %get3A_444 : vector<16xf32>
        %add3A_446 = arith.constant 8 : i32
        %add3A_447 = arith.addi %mul3A_257, %add3A_446 : i32
        %get3A_448 = arith.index_cast %add3A_447 : i32 to index
        %get3A_449 = arith.constant 16 : index
        %get3A_450 = tpu.vector_load %arg12[%get3A_448, %get3A_449] {strides = array<i32>} : memref<160x128xf32, #tpu.memory_space<vmem>>, vector<1x16xf32>,
        %get3A_451 = vector.shape_cast %get3A_450 : vector<1x16xf32> to vector<16xf32>
        %add3A_452 = arith.addf %add3A_445, %get3A_451 : vector<16xf32>
        %add3A_453 = arith.constant 9 : i32
        %add3A_454 = arith.addi %mul3A_257, %add3A_453 : i32
        %get3A_455 = arith.index_cast %add3A_454 : i32 to index
        %get3A_456 = arith.constant 16 : index
        %get3A_457 = tpu.vector_load %arg12[%get3A_455, %get3A_456] {strides = array<i32>} : memref<160x128xf32, #tpu.memory_space<vmem>>, vector<1x16xf32>,
        %get3A_458 = vector.shape_cast %get3A_457 : vector<1x16xf32> to vector<16xf32>
        %add3A_459 = arith.addf %add3A_452, %get3A_458 : vector<16xf32>
        %add3A_460 = arith.constant 0 : i32
        %add3A_461 = arith.addi %mul3A_259, %add3A_460 : i32
        %get3A_462 = arith.index_cast %add3A_461 : i32 to index
        %get3A_463 = arith.constant 16 : index
        %get3A_464 = tpu.vector_load %arg14[%get3A_462, %get3A_463] {strides = array<i32>} : memref<144x128xf32, #tpu.memory_space<vmem>>, vector<1x16xf32>,
        %get3A_465 = vector.shape_cast %get3A_464 : vector<1x16xf32> to vector<16xf32>
        %add3A_466 = arith.addf %add3A_459, %get3A_465 : vector<16xf32>
        %add3A_467 = arith.constant 1 : i32
        %add3A_468 = arith.addi %mul3A_259, %add3A_467 : i32
        %get3A_469 = arith.index_cast %add3A_468 : i32 to index
        %get3A_470 = arith.constant 16 : index
        %get3A_471 = tpu.vector_load %arg14[%get3A_469, %get3A_470] {strides = array<i32>} : memref<144x128xf32, #tpu.memory_space<vmem>>, vector<1x16xf32>,
        %get3A_472 = vector.shape_cast %get3A_471 : vector<1x16xf32> to vector<16xf32>
        %add3A_473 = arith.addf %add3A_466, %get3A_472 : vector<16xf32>
        %add3A_474 = arith.constant 2 : i32
        %add3A_475 = arith.addi %mul3A_259, %add3A_474 : i32
        %get3A_476 = arith.index_cast %add3A_475 : i32 to index
        %get3A_477 = arith.constant 16 : index
        %get3A_478 = tpu.vector_load %arg14[%get3A_476, %get3A_477] {strides = array<i32>} : memref<144x128xf32, #tpu.memory_space<vmem>>, vector<1x16xf32>,
        %get3A_479 = vector.shape_cast %get3A_478 : vector<1x16xf32> to vector<16xf32>
        %add3A_480 = arith.addf %add3A_473, %get3A_479 : vector<16xf32>
        %add3A_481 = arith.constant 3 : i32
        %add3A_482 = arith.addi %mul3A_259, %add3A_481 : i32
        %get3A_483 = arith.index_cast %add3A_482 : i32 to index
        %get3A_484 = arith.constant 16 : index
        %get3A_485 = tpu.vector_load %arg14[%get3A_483, %get3A_484] {strides = array<i32>} : memref<144x128xf32, #tpu.memory_space<vmem>>, vector<1x16xf32>,
        %get3A_486 = vector.shape_cast %get3A_485 : vector<1x16xf32> to vector<16xf32>
        %add3A_487 = arith.addf %add3A_480, %get3A_486 : vector<16xf32>
        %add3A_488 = arith.constant 4 : i32
        %add3A_489 = arith.addi %mul3A_259, %add3A_488 : i32
        %get3A_490 = arith.index_cast %add3A_489 : i32 to index
        %get3A_491 = arith.constant 16 : index
        %get3A_492 = tpu.vector_load %arg14[%get3A_490, %get3A_491] {strides = array<i32>} : memref<144x128xf32, #tpu.memory_space<vmem>>, vector<1x16xf32>,
        %get3A_493 = vector.shape_cast %get3A_492 : vector<1x16xf32> to vector<16xf32>
        %add3A_494 = arith.addf %add3A_487, %get3A_493 : vector<16xf32>
        %add3A_495 = arith.constant 5 : i32
        %add3A_496 = arith.addi %mul3A_259, %add3A_495 : i32
        %get3A_497 = arith.index_cast %add3A_496 : i32 to index
        %get3A_498 = arith.constant 16 : index
        %get3A_499 = tpu.vector_load %arg14[%get3A_497, %get3A_498] {strides = array<i32>} : memref<144x128xf32, #tpu.memory_space<vmem>>, vector<1x16xf32>,
        %get3A_500 = vector.shape_cast %get3A_499 : vector<1x16xf32> to vector<16xf32>
        %add3A_501 = arith.addf %add3A_494, %get3A_500 : vector<16xf32>
        %add3A_502 = arith.constant 6 : i32
        %add3A_503 = arith.addi %mul3A_259, %add3A_502 : i32
        %get3A_504 = arith.index_cast %add3A_503 : i32 to index
        %get3A_505 = arith.constant 16 : index
        %get3A_506 = tpu.vector_load %arg14[%get3A_504, %get3A_505] {strides = array<i32>} : memref<144x128xf32, #tpu.memory_space<vmem>>, vector<1x16xf32>,
        %get3A_507 = vector.shape_cast %get3A_506 : vector<1x16xf32> to vector<16xf32>
        %add3A_508 = arith.addf %add3A_501, %get3A_507 : vector<16xf32>
        %add3A_509 = arith.constant 7 : i32
        %add3A_510 = arith.addi %mul3A_259, %add3A_509 : i32
        %get3A_511 = arith.index_cast %add3A_510 : i32 to index
        %get3A_512 = arith.constant 16 : index
        %get3A_513 = tpu.vector_load %arg14[%get3A_511, %get3A_512] {strides = array<i32>} : memref<144x128xf32, #tpu.memory_space<vmem>>, vector<1x16xf32>,
        %get3A_514 = vector.shape_cast %get3A_513 : vector<1x16xf32> to vector<16xf32>
        %add3A_515 = arith.addf %add3A_508, %get3A_514 : vector<16xf32>
        %add3A_516 = arith.constant 8 : i32
        %add3A_517 = arith.addi %mul3A_259, %add3A_516 : i32
        %get3A_518 = arith.index_cast %add3A_517 : i32 to index
        %get3A_519 = arith.constant 16 : index
        %get3A_520 = tpu.vector_load %arg14[%get3A_518, %get3A_519] {strides = array<i32>} : memref<144x128xf32, #tpu.memory_space<vmem>>, vector<1x16xf32>,
        %get3A_521 = vector.shape_cast %get3A_520 : vector<1x16xf32> to vector<16xf32>
        %add3A_522 = arith.addf %add3A_515, %get3A_521 : vector<16xf32>
        %swap3A_523 = arith.index_cast %scan3A_255 : i32 to index
        %swap3A_524 = arith.constant 16 : index
        %swap3A_525 = tpu.vector_load %arg16[%swap3A_523, %swap3A_524] {strides = array<i32>} : memref<16x64xf32, #tpu.memory_space<vmem>>, vector<1x16xf32>,
        %swap3A_526 = vector.shape_cast %swap3A_525 : vector<1x16xf32> to vector<16xf32>
        %swap3A_527 = vector.shape_cast %add3A_522 : vector<16xf32> to vector<1x16xf32>
        tpu.vector_store %arg16[%swap3A_523, %swap3A_524], %swap3A_527 {strides = array<i32>} : memref<16x64xf32, #tpu.memory_space<vmem>>, vector<1x16xf32>,
        %get3A_528 = arith.index_cast %mul3A_257 : i32 to index
        %get3A_529 = arith.constant 32 : index
        %get3A_530 = tpu.vector_load %arg12[%get3A_528, %get3A_529] {strides = array<i32>} : memref<160x128xf32, #tpu.memory_space<vmem>>, vector<1x16xf32>,
        %get3A_531 = vector.shape_cast %get3A_530 : vector<1x16xf32> to vector<16xf32>
        %add3A_532 = arith.constant 1 : i32
        %add3A_533 = arith.addi %mul3A_257, %add3A_532 : i32
        %get3A_534 = arith.index_cast %add3A_533 : i32 to index
        %get3A_535 = arith.constant 32 : index
        %get3A_536 = tpu.vector_load %arg12[%get3A_534, %get3A_535] {strides = array<i32>} : memref<160x128xf32, #tpu.memory_space<vmem>>, vector<1x16xf32>,
        %get3A_537 = vector.shape_cast %get3A_536 : vector<1x16xf32> to vector<16xf32>
        %add3A_538 = arith.addf %get3A_531, %get3A_537 : vector<16xf32>
        %add3A_539 = arith.constant 2 : i32
        %add3A_540 = arith.addi %mul3A_257, %add3A_539 : i32
        %get3A_541 = arith.index_cast %add3A_540 : i32 to index
        %get3A_542 = arith.constant 32 : index
        %get3A_543 = tpu.vector_load %arg12[%get3A_541, %get3A_542] {strides = array<i32>} : memref<160x128xf32, #tpu.memory_space<vmem>>, vector<1x16xf32>,
        %get3A_544 = vector.shape_cast %get3A_543 : vector<1x16xf32> to vector<16xf32>
        %add3A_545 = arith.addf %add3A_538, %get3A_544 : vector<16xf32>
        %add3A_546 = arith.constant 3 : i32
        %add3A_547 = arith.addi %mul3A_257, %add3A_546 : i32
        %get3A_548 = arith.index_cast %add3A_547 : i32 to index
        %get3A_549 = arith.constant 32 : index
        %get3A_550 = tpu.vector_load %arg12[%get3A_548, %get3A_549] {strides = array<i32>} : memref<160x128xf32, #tpu.memory_space<vmem>>, vector<1x16xf32>,
        %get3A_551 = vector.shape_cast %get3A_550 : vector<1x16xf32> to vector<16xf32>
        %add3A_552 = arith.addf %add3A_545, %get3A_551 : vector<16xf32>
        %add3A_553 = arith.constant 4 : i32
        %add3A_554 = arith.addi %mul3A_257, %add3A_553 : i32
        %get3A_555 = arith.index_cast %add3A_554 : i32 to index
        %get3A_556 = arith.constant 32 : index
        %get3A_557 = tpu.vector_load %arg12[%get3A_555, %get3A_556] {strides = array<i32>} : memref<160x128xf32, #tpu.memory_space<vmem>>, vector<1x16xf32>,
        %get3A_558 = vector.shape_cast %get3A_557 : vector<1x16xf32> to vector<16xf32>
        %add3A_559 = arith.addf %add3A_552, %get3A_558 : vector<16xf32>
        %add3A_560 = arith.constant 5 : i32
        %add3A_561 = arith.addi %mul3A_257, %add3A_560 : i32
        %get3A_562 = arith.index_cast %add3A_561 : i32 to index
        %get3A_563 = arith.constant 32 : index
        %get3A_564 = tpu.vector_load %arg12[%get3A_562, %get3A_563] {strides = array<i32>} : memref<160x128xf32, #tpu.memory_space<vmem>>, vector<1x16xf32>,
        %get3A_565 = vector.shape_cast %get3A_564 : vector<1x16xf32> to vector<16xf32>
        %add3A_566 = arith.addf %add3A_559, %get3A_565 : vector<16xf32>
        %add3A_567 = arith.constant 6 : i32
        %add3A_568 = arith.addi %mul3A_257, %add3A_567 : i32
        %get3A_569 = arith.index_cast %add3A_568 : i32 to index
        %get3A_570 = arith.constant 32 : index
        %get3A_571 = tpu.vector_load %arg12[%get3A_569, %get3A_570] {strides = array<i32>} : memref<160x128xf32, #tpu.memory_space<vmem>>, vector<1x16xf32>,
        %get3A_572 = vector.shape_cast %get3A_571 : vector<1x16xf32> to vector<16xf32>
        %add3A_573 = arith.addf %add3A_566, %get3A_572 : vector<16xf32>
        %add3A_574 = arith.constant 7 : i32
        %add3A_575 = arith.addi %mul3A_257, %add3A_574 : i32
        %get3A_576 = arith.index_cast %add3A_575 : i32 to index
        %get3A_577 = arith.constant 32 : index
        %get3A_578 = tpu.vector_load %arg12[%get3A_576, %get3A_577] {strides = array<i32>} : memref<160x128xf32, #tpu.memory_space<vmem>>, vector<1x16xf32>,
        %get3A_579 = vector.shape_cast %get3A_578 : vector<1x16xf32> to vector<16xf32>
        %add3A_580 = arith.addf %add3A_573, %get3A_579 : vector<16xf32>
        %add3A_581 = arith.constant 8 : i32
        %add3A_582 = arith.addi %mul3A_257, %add3A_581 : i32
        %get3A_583 = arith.index_cast %add3A_582 : i32 to index
        %get3A_584 = arith.constant 32 : index
        %get3A_585 = tpu.vector_load %arg12[%get3A_583, %get3A_584] {strides = array<i32>} : memref<160x128xf32, #tpu.memory_space<vmem>>, vector<1x16xf32>,
        %get3A_586 = vector.shape_cast %get3A_585 : vector<1x16xf32> to vector<16xf32>
        %add3A_587 = arith.addf %add3A_580, %get3A_586 : vector<16xf32>
        %add3A_588 = arith.constant 9 : i32
        %add3A_589 = arith.addi %mul3A_257, %add3A_588 : i32
        %get3A_590 = arith.index_cast %add3A_589 : i32 to index
        %get3A_591 = arith.constant 32 : index
        %get3A_592 = tpu.vector_load %arg12[%get3A_590, %get3A_591] {strides = array<i32>} : memref<160x128xf32, #tpu.memory_space<vmem>>, vector<1x16xf32>,
        %get3A_593 = vector.shape_cast %get3A_592 : vector<1x16xf32> to vector<16xf32>
        %add3A_594 = arith.addf %add3A_587, %get3A_593 : vector<16xf32>
        %add3A_595 = arith.constant 0 : i32
        %add3A_596 = arith.addi %mul3A_259, %add3A_595 : i32
        %get3A_597 = arith.index_cast %add3A_596 : i32 to index
        %get3A_598 = arith.constant 32 : index
        %get3A_599 = tpu.vector_load %arg14[%get3A_597, %get3A_598] {strides = array<i32>} : memref<144x128xf32, #tpu.memory_space<vmem>>, vector<1x16xf32>,
        %get3A_600 = vector.shape_cast %get3A_599 : vector<1x16xf32> to vector<16xf32>
        %add3A_601 = arith.addf %add3A_594, %get3A_600 : vector<16xf32>
        %add3A_602 = arith.constant 1 : i32
        %add3A_603 = arith.addi %mul3A_259, %add3A_602 : i32
        %get3A_604 = arith.index_cast %add3A_603 : i32 to index
        %get3A_605 = arith.constant 32 : index
        %get3A_606 = tpu.vector_load %arg14[%get3A_604, %get3A_605] {strides = array<i32>} : memref<144x128xf32, #tpu.memory_space<vmem>>, vector<1x16xf32>,
        %get3A_607 = vector.shape_cast %get3A_606 : vector<1x16xf32> to vector<16xf32>
        %add3A_608 = arith.addf %add3A_601, %get3A_607 : vector<16xf32>
        %add3A_609 = arith.constant 2 : i32
        %add3A_610 = arith.addi %mul3A_259, %add3A_609 : i32
        %get3A_611 = arith.index_cast %add3A_610 : i32 to index
        %get3A_612 = arith.constant 32 : index
        %get3A_613 = tpu.vector_load %arg14[%get3A_611, %get3A_612] {strides = array<i32>} : memref<144x128xf32, #tpu.memory_space<vmem>>, vector<1x16xf32>,
        %get3A_614 = vector.shape_cast %get3A_613 : vector<1x16xf32> to vector<16xf32>
        %add3A_615 = arith.addf %add3A_608, %get3A_614 : vector<16xf32>
        %add3A_616 = arith.constant 3 : i32
        %add3A_617 = arith.addi %mul3A_259, %add3A_616 : i32
        %get3A_618 = arith.index_cast %add3A_617 : i32 to index
        %get3A_619 = arith.constant 32 : index
        %get3A_620 = tpu.vector_load %arg14[%get3A_618, %get3A_619] {strides = array<i32>} : memref<144x128xf32, #tpu.memory_space<vmem>>, vector<1x16xf32>,
        %get3A_621 = vector.shape_cast %get3A_620 : vector<1x16xf32> to vector<16xf32>
        %add3A_622 = arith.addf %add3A_615, %get3A_621 : vector<16xf32>
        %add3A_623 = arith.constant 4 : i32
        %add3A_624 = arith.addi %mul3A_259, %add3A_623 : i32
        %get3A_625 = arith.index_cast %add3A_624 : i32 to index
        %get3A_626 = arith.constant 32 : index
        %get3A_627 = tpu.vector_load %arg14[%get3A_625, %get3A_626] {strides = array<i32>} : memref<144x128xf32, #tpu.memory_space<vmem>>, vector<1x16xf32>,
        %get3A_628 = vector.shape_cast %get3A_627 : vector<1x16xf32> to vector<16xf32>
        %add3A_629 = arith.addf %add3A_622, %get3A_628 : vector<16xf32>
        %add3A_630 = arith.constant 5 : i32
        %add3A_631 = arith.addi %mul3A_259, %add3A_630 : i32
        %get3A_632 = arith.index_cast %add3A_631 : i32 to index
        %get3A_633 = arith.constant 32 : index
        %get3A_634 = tpu.vector_load %arg14[%get3A_632, %get3A_633] {strides = array<i32>} : memref<144x128xf32, #tpu.memory_space<vmem>>, vector<1x16xf32>,
        %get3A_635 = vector.shape_cast %get3A_634 : vector<1x16xf32> to vector<16xf32>
        %add3A_636 = arith.addf %add3A_629, %get3A_635 : vector<16xf32>
        %add3A_637 = arith.constant 6 : i32
        %add3A_638 = arith.addi %mul3A_259, %add3A_637 : i32
        %get3A_639 = arith.index_cast %add3A_638 : i32 to index
        %get3A_640 = arith.constant 32 : index
        %get3A_641 = tpu.vector_load %arg14[%get3A_639, %get3A_640] {strides = array<i32>} : memref<144x128xf32, #tpu.memory_space<vmem>>, vector<1x16xf32>,
        %get3A_642 = vector.shape_cast %get3A_641 : vector<1x16xf32> to vector<16xf32>
        %add3A_643 = arith.addf %add3A_636, %get3A_642 : vector<16xf32>
        %add3A_644 = arith.constant 7 : i32
        %add3A_645 = arith.addi %mul3A_259, %add3A_644 : i32
        %get3A_646 = arith.index_cast %add3A_645 : i32 to index
        %get3A_647 = arith.constant 32 : index
        %get3A_648 = tpu.vector_load %arg14[%get3A_646, %get3A_647] {strides = array<i32>} : memref<144x128xf32, #tpu.memory_space<vmem>>, vector<1x16xf32>,
        %get3A_649 = vector.shape_cast %get3A_648 : vector<1x16xf32> to vector<16xf32>
        %add3A_650 = arith.addf %add3A_643, %get3A_649 : vector<16xf32>
        %add3A_651 = arith.constant 8 : i32
        %add3A_652 = arith.addi %mul3A_259, %add3A_651 : i32
        %get3A_653 = arith.index_cast %add3A_652 : i32 to index
        %get3A_654 = arith.constant 32 : index
        %get3A_655 = tpu.vector_load %arg14[%get3A_653, %get3A_654] {strides = array<i32>} : memref<144x128xf32, #tpu.memory_space<vmem>>, vector<1x16xf32>,
        %get3A_656 = vector.shape_cast %get3A_655 : vector<1x16xf32> to vector<16xf32>
        %add3A_657 = arith.addf %add3A_650, %get3A_656 : vector<16xf32>
        %swap3A_658 = arith.index_cast %scan3A_255 : i32 to index
        %swap3A_659 = arith.constant 32 : index
        %swap3A_660 = tpu.vector_load %arg16[%swap3A_658, %swap3A_659] {strides = array<i32>} : memref<16x64xf32, #tpu.memory_space<vmem>>, vector<1x16xf32>,
        %swap3A_661 = vector.shape_cast %swap3A_660 : vector<1x16xf32> to vector<16xf32>
        %swap3A_662 = vector.shape_cast %add3A_657 : vector<16xf32> to vector<1x16xf32>
        tpu.vector_store %arg16[%swap3A_658, %swap3A_659], %swap3A_662 {strides = array<i32>} : memref<16x64xf32, #tpu.memory_space<vmem>>, vector<1x16xf32>,
        %get3A_663 = arith.index_cast %mul3A_257 : i32 to index
        %get3A_664 = arith.constant 48 : index
        %get3A_665 = tpu.vector_load %arg12[%get3A_663, %get3A_664] {strides = array<i32>} : memref<160x128xf32, #tpu.memory_space<vmem>>, vector<1x16xf32>,
        %get3A_666 = vector.shape_cast %get3A_665 : vector<1x16xf32> to vector<16xf32>
        %add3A_667 = arith.constant 1 : i32
        %add3A_668 = arith.addi %mul3A_257, %add3A_667 : i32
        %get3A_669 = arith.index_cast %add3A_668 : i32 to index
        %get3A_670 = arith.constant 48 : index
        %get3A_671 = tpu.vector_load %arg12[%get3A_669, %get3A_670] {strides = array<i32>} : memref<160x128xf32, #tpu.memory_space<vmem>>, vector<1x16xf32>,
        %get3A_672 = vector.shape_cast %get3A_671 : vector<1x16xf32> to vector<16xf32>
        %add3A_673 = arith.addf %get3A_666, %get3A_672 : vector<16xf32>
        %add3A_674 = arith.constant 2 : i32
        %add3A_675 = arith.addi %mul3A_257, %add3A_674 : i32
        %get3A_676 = arith.index_cast %add3A_675 : i32 to index
        %get3A_677 = arith.constant 48 : index
        %get3A_678 = tpu.vector_load %arg12[%get3A_676, %get3A_677] {strides = array<i32>} : memref<160x128xf32, #tpu.memory_space<vmem>>, vector<1x16xf32>,
        %get3A_679 = vector.shape_cast %get3A_678 : vector<1x16xf32> to vector<16xf32>
        %add3A_680 = arith.addf %add3A_673, %get3A_679 : vector<16xf32>
        %add3A_681 = arith.constant 3 : i32
        %add3A_682 = arith.addi %mul3A_257, %add3A_681 : i32
        %get3A_683 = arith.index_cast %add3A_682 : i32 to index
        %get3A_684 = arith.constant 48 : index
        %get3A_685 = tpu.vector_load %arg12[%get3A_683, %get3A_684] {strides = array<i32>} : memref<160x128xf32, #tpu.memory_space<vmem>>, vector<1x16xf32>,
        %get3A_686 = vector.shape_cast %get3A_685 : vector<1x16xf32> to vector<16xf32>
        %add3A_687 = arith.addf %add3A_680, %get3A_686 : vector<16xf32>
        %add3A_688 = arith.constant 4 : i32
        %add3A_689 = arith.addi %mul3A_257, %add3A_688 : i32
        %get3A_690 = arith.index_cast %add3A_689 : i32 to index
        %get3A_691 = arith.constant 48 : index
        %get3A_692 = tpu.vector_load %arg12[%get3A_690, %get3A_691] {strides = array<i32>} : memref<160x128xf32, #tpu.memory_space<vmem>>, vector<1x16xf32>,
        %get3A_693 = vector.shape_cast %get3A_692 : vector<1x16xf32> to vector<16xf32>
        %add3A_694 = arith.addf %add3A_687, %get3A_693 : vector<16xf32>
        %add3A_695 = arith.constant 5 : i32
        %add3A_696 = arith.addi %mul3A_257, %add3A_695 : i32
        %get3A_697 = arith.index_cast %add3A_696 : i32 to index
        %get3A_698 = arith.constant 48 : index
        %get3A_699 = tpu.vector_load %arg12[%get3A_697, %get3A_698] {strides = array<i32>} : memref<160x128xf32, #tpu.memory_space<vmem>>, vector<1x16xf32>,
        %get3A_700 = vector.shape_cast %get3A_699 : vector<1x16xf32> to vector<16xf32>
        %add3A_701 = arith.addf %add3A_694, %get3A_700 : vector<16xf32>
        %add3A_702 = arith.constant 6 : i32
        %add3A_703 = arith.addi %mul3A_257, %add3A_702 : i32
        %get3A_704 = arith.index_cast %add3A_703 : i32 to index
        %get3A_705 = arith.constant 48 : index
        %get3A_706 = tpu.vector_load %arg12[%get3A_704, %get3A_705] {strides = array<i32>} : memref<160x128xf32, #tpu.memory_space<vmem>>, vector<1x16xf32>,
        %get3A_707 = vector.shape_cast %get3A_706 : vector<1x16xf32> to vector<16xf32>
        %add3A_708 = arith.addf %add3A_701, %get3A_707 : vector<16xf32>
        %add3A_709 = arith.constant 7 : i32
        %add3A_710 = arith.addi %mul3A_257, %add3A_709 : i32
        %get3A_711 = arith.index_cast %add3A_710 : i32 to index
        %get3A_712 = arith.constant 48 : index
        %get3A_713 = tpu.vector_load %arg12[%get3A_711, %get3A_712] {strides = array<i32>} : memref<160x128xf32, #tpu.memory_space<vmem>>, vector<1x16xf32>,
        %get3A_714 = vector.shape_cast %get3A_713 : vector<1x16xf32> to vector<16xf32>
        %add3A_715 = arith.addf %add3A_708, %get3A_714 : vector<16xf32>
        %add3A_716 = arith.constant 8 : i32
        %add3A_717 = arith.addi %mul3A_257, %add3A_716 : i32
        %get3A_718 = arith.index_cast %add3A_717 : i32 to index
        %get3A_719 = arith.constant 48 : index
        %get3A_720 = tpu.vector_load %arg12[%get3A_718, %get3A_719] {strides = array<i32>} : memref<160x128xf32, #tpu.memory_space<vmem>>, vector<1x16xf32>,
        %get3A_721 = vector.shape_cast %get3A_720 : vector<1x16xf32> to vector<16xf32>
        %add3A_722 = arith.addf %add3A_715, %get3A_721 : vector<16xf32>
        %add3A_723 = arith.constant 9 : i32
        %add3A_724 = arith.addi %mul3A_257, %add3A_723 : i32
        %get3A_725 = arith.index_cast %add3A_724 : i32 to index
        %get3A_726 = arith.constant 48 : index
        %get3A_727 = tpu.vector_load %arg12[%get3A_725, %get3A_726] {strides = array<i32>} : memref<160x128xf32, #tpu.memory_space<vmem>>, vector<1x16xf32>,
        %get3A_728 = vector.shape_cast %get3A_727 : vector<1x16xf32> to vector<16xf32>
        %add3A_729 = arith.addf %add3A_722, %get3A_728 : vector<16xf32>
        %add3A_730 = arith.constant 0 : i32
        %add3A_731 = arith.addi %mul3A_259, %add3A_730 : i32
        %get3A_732 = arith.index_cast %add3A_731 : i32 to index
        %get3A_733 = arith.constant 48 : index
        %get3A_734 = tpu.vector_load %arg14[%get3A_732, %get3A_733] {strides = array<i32>} : memref<144x128xf32, #tpu.memory_space<vmem>>, vector<1x16xf32>,
        %get3A_735 = vector.shape_cast %get3A_734 : vector<1x16xf32> to vector<16xf32>
        %add3A_736 = arith.addf %add3A_729, %get3A_735 : vector<16xf32>
        %add3A_737 = arith.constant 1 : i32
        %add3A_738 = arith.addi %mul3A_259, %add3A_737 : i32
        %get3A_739 = arith.index_cast %add3A_738 : i32 to index
        %get3A_740 = arith.constant 48 : index
        %get3A_741 = tpu.vector_load %arg14[%get3A_739, %get3A_740] {strides = array<i32>} : memref<144x128xf32, #tpu.memory_space<vmem>>, vector<1x16xf32>,
        %get3A_742 = vector.shape_cast %get3A_741 : vector<1x16xf32> to vector<16xf32>
        %add3A_743 = arith.addf %add3A_736, %get3A_742 : vector<16xf32>
        %add3A_744 = arith.constant 2 : i32
        %add3A_745 = arith.addi %mul3A_259, %add3A_744 : i32
        %get3A_746 = arith.index_cast %add3A_745 : i32 to index
        %get3A_747 = arith.constant 48 : index
        %get3A_748 = tpu.vector_load %arg14[%get3A_746, %get3A_747] {strides = array<i32>} : memref<144x128xf32, #tpu.memory_space<vmem>>, vector<1x16xf32>,
        %get3A_749 = vector.shape_cast %get3A_748 : vector<1x16xf32> to vector<16xf32>
        %add3A_750 = arith.addf %add3A_743, %get3A_749 : vector<16xf32>
        %add3A_751 = arith.constant 3 : i32
        %add3A_752 = arith.addi %mul3A_259, %add3A_751 : i32
        %get3A_753 = arith.index_cast %add3A_752 : i32 to index
        %get3A_754 = arith.constant 48 : index
        %get3A_755 = tpu.vector_load %arg14[%get3A_753, %get3A_754] {strides = array<i32>} : memref<144x128xf32, #tpu.memory_space<vmem>>, vector<1x16xf32>,
        %get3A_756 = vector.shape_cast %get3A_755 : vector<1x16xf32> to vector<16xf32>
        %add3A_757 = arith.addf %add3A_750, %get3A_756 : vector<16xf32>
        %add3A_758 = arith.constant 4 : i32
        %add3A_759 = arith.addi %mul3A_259, %add3A_758 : i32
        %get3A_760 = arith.index_cast %add3A_759 : i32 to index
        %get3A_761 = arith.constant 48 : index
        %get3A_762 = tpu.vector_load %arg14[%get3A_760, %get3A_761] {strides = array<i32>} : memref<144x128xf32, #tpu.memory_space<vmem>>, vector<1x16xf32>,
        %get3A_763 = vector.shape_cast %get3A_762 : vector<1x16xf32> to vector<16xf32>
        %add3A_764 = arith.addf %add3A_757, %get3A_763 : vector<16xf32>
        %add3A_765 = arith.constant 5 : i32
        %add3A_766 = arith.addi %mul3A_259, %add3A_765 : i32
        %get3A_767 = arith.index_cast %add3A_766 : i32 to index
        %get3A_768 = arith.constant 48 : index
        %get3A_769 = tpu.vector_load %arg14[%get3A_767, %get3A_768] {strides = array<i32>} : memref<144x128xf32, #tpu.memory_space<vmem>>, vector<1x16xf32>,
        %get3A_770 = vector.shape_cast %get3A_769 : vector<1x16xf32> to vector<16xf32>
        %add3A_771 = arith.addf %add3A_764, %get3A_770 : vector<16xf32>
        %add3A_772 = arith.constant 6 : i32
        %add3A_773 = arith.addi %mul3A_259, %add3A_772 : i32
        %get3A_774 = arith.index_cast %add3A_773 : i32 to index
        %get3A_775 = arith.constant 48 : index
        %get3A_776 = tpu.vector_load %arg14[%get3A_774, %get3A_775] {strides = array<i32>} : memref<144x128xf32, #tpu.memory_space<vmem>>, vector<1x16xf32>,
        %get3A_777 = vector.shape_cast %get3A_776 : vector<1x16xf32> to vector<16xf32>
        %add3A_778 = arith.addf %add3A_771, %get3A_777 : vector<16xf32>
        %add3A_779 = arith.constant 7 : i32
        %add3A_780 = arith.addi %mul3A_259, %add3A_779 : i32
        %get3A_781 = arith.index_cast %add3A_780 : i32 to index
        %get3A_782 = arith.constant 48 : index
        %get3A_783 = tpu.vector_load %arg14[%get3A_781, %get3A_782] {strides = array<i32>} : memref<144x128xf32, #tpu.memory_space<vmem>>, vector<1x16xf32>,
        %get3A_784 = vector.shape_cast %get3A_783 : vector<1x16xf32> to vector<16xf32>
        %add3A_785 = arith.addf %add3A_778, %get3A_784 : vector<16xf32>
        %add3A_786 = arith.constant 8 : i32
        %add3A_787 = arith.addi %mul3A_259, %add3A_786 : i32
        %get3A_788 = arith.index_cast %add3A_787 : i32 to index
        %get3A_789 = arith.constant 48 : index
        %get3A_790 = tpu.vector_load %arg14[%get3A_788, %get3A_789] {strides = array<i32>} : memref<144x128xf32, #tpu.memory_space<vmem>>, vector<1x16xf32>,
        %get3A_791 = vector.shape_cast %get3A_790 : vector<1x16xf32> to vector<16xf32>
        %add3A_792 = arith.addf %add3A_785, %get3A_791 : vector<16xf32>
        %swap3A_793 = arith.index_cast %scan3A_255 : i32 to index
        %swap3A_794 = arith.constant 48 : index
        %swap3A_795 = tpu.vector_load %arg16[%swap3A_793, %swap3A_794] {strides = array<i32>} : memref<16x64xf32, #tpu.memory_space<vmem>>, vector<1x16xf32>,
        %swap3A_796 = vector.shape_cast %swap3A_795 : vector<1x16xf32> to vector<16xf32>
        %swap3A_797 = vector.shape_cast %add3A_792 : vector<16xf32> to vector<1x16xf32>
        tpu.vector_store %arg16[%swap3A_793, %swap3A_794], %swap3A_797 {strides = array<i32>} : memref<16x64xf32, #tpu.memory_space<vmem>>, vector<1x16xf32>,
      }
      %scan3A_246 = arith.constant 16 : i32
      %mul3A_247 = arith.constant 16 : i32
      %mul3A_248 = arith.muli %add3A_71, %mul3A_247 : i32
      %add3A_249 = arith.addi %mul3A_2, %mul3A_248 : i32
      %multiple_of3A_250 = tpu.assume_multiple %add3A_249, 16 : i32
      %dma_start3A_251 = arith.constant 0 : i32
      %dma_start3A_252 = tpu.memref_slice %arg7[%multiple_of3A_250, %dma_start3A_251] : memref<16384x64xf32, #tpu.memory_space<hbm>> -> memref<16x64xf32, #tpu.memory_space<hbm>>
      %dma_start3A_253 = arith.constant 0 : i32
      %dma_start3A_254 = tpu.memref_slice %arg7[%multiple_of3A_250, %dma_start3A_253] : memref<16384x64xf32, #tpu.memory_space<hbm>> -> memref<16x64xf32, #tpu.memory_space<hbm>>
      tpu.enqueue_dma source(%arg16 : memref<16x64xf32, #tpu.memory_space<vmem>>) target(%dma_start3A_254 : memref<16x64xf32, #tpu.memory_space<hbm>>) target_semaphore(%arg20 : memref<!tpu.dma_semaphore, #tpu.memory_space<semaphore_mem>>)
    }
    %scan3A_53 = arith.constant 16 : i32
    %add3A_54 = arith.constant 480 : i32
    %add3A_55 = arith.addi %mul3A_2, %add3A_54 : i32
    %multiple_of3A_56 = tpu.assume_multiple %add3A_55, 16 : i32
    %dma_wait3A = arith.constant 0 : i32
    %dma_wait3A_57 = tpu.memref_slice %arg7[%multiple_of3A_56, %dma_wait3A] : memref<16384x64xf32, #tpu.memory_space<hbm>> -> memref<16x64xf32, #tpu.memory_space<hbm>>
    %dma_wait3A_58 = arith.constant 0 : i32
    %dma_wait3A_59 = tpu.memref_slice %arg7[%multiple_of3A_56, %dma_wait3A_58] : memref<16384x64xf32, #tpu.memory_space<hbm>> -> memref<16x64xf32, #tpu.memory_space<hbm>>
    tpu.wait_dma2 semaphore(%arg19 : memref<!tpu.dma_semaphore, #tpu.memory_space<semaphore_mem>>) src(%arg15 : memref<16x64xf32, #tpu.memory_space<vmem>>) dst(%dma_wait3A_59 : memref<16x64xf32, #tpu.memory_space<hbm>>)
    %add3A_60 = arith.constant 496 : i32
    %add3A_61 = arith.addi %mul3A_2, %add3A_60 : i32
    %multiple_of3A_62 = tpu.assume_multiple %add3A_61, 16 : i32
    %dma_wait3A_63 = arith.constant 0 : i32
    %dma_wait3A_64 = tpu.memref_slice %arg7[%multiple_of3A_62, %dma_wait3A_63] : memref<16384x64xf32, #tpu.memory_space<hbm>> -> memref<16x64xf32, #tpu.memory_space<hbm>>
    %dma_wait3A_65 = arith.constant 0 : i32
    %dma_wait3A_66 = tpu.memref_slice %arg7[%multiple_of3A_62, %dma_wait3A_65] : memref<16384x64xf32, #tpu.memory_space<hbm>> -> memref<16x64xf32, #tpu.memory_space<hbm>>
    tpu.wait_dma2 semaphore(%arg20 : memref<!tpu.dma_semaphore, #tpu.memory_space<semaphore_mem>>) src(%arg16 : memref<16x64xf32, #tpu.memory_space<vmem>>) dst(%dma_wait3A_66 : memref<16x64xf32, #tpu.memory_space<hbm>>)
    return
  }
}

</mosaic_0001>

<sc_bundles>
// kernel: _sc_sums.3.cloned.1.call-start
scs
__scs_entry_jumppad:
0x0: {  	(pc) =	sbr.rel $0x88, $3  }
0x1: {  	(tag) =	ssettag $0x0;
	lr =	simm.s32 $0x1  }
0x2: {  	[smem:$0x3F9C] =	sst lr;
	_ =	strace $0xD0000000  }
0x3: {  	_ = 	snop  }
0x4: {  	_ = 	snop  }
0x5: {  	_ = 	snop  }
0x6: {  	_ = 	snop  }
0x7: {  	_ = 	snop  }
__scs_overlays_trampoline_lowered:
0x8: {  	[smem:$0x3FAB] =	sst s0  }
0x9: {  	[smem:$0x3FAC] =	sst s1  }
0xa: {  	[smem:$0x3FAD] =	sst s2  }
0xb: {  	[smem:$0x3FAE] =	sst s3  }
0xc: {  	[smem:$0x3FAF] =	sst s4  }
0xd: {  	[smem:$0x3FB0] =	sst s5  }
0xe: {  	[smem:$0x3FB1] =	sst s6  }
0xf: {  	[smem:$0x3FB2] =	sst s7  }
0x10: {  	[smem:$0x3FB3] =	sst s8  }
0x11: {  	[smem:$0x3FB4] =	sst s9;
	s0 =	simm.s32 @!p0 $0x0  }
0x12: {  	s1 =	sld [smem:$0x3F9A];
	s0 =	simm.s32 @p0 $0x1  }
0x13: {  	[smem:$0x3FB5] =	sst s0;
	s0 =	simm.s32 @!p1 $0x0  }
0x14: {  	s2 =	sld [smem:$0x3F99];
	s0 =	simm.s32 @p1 $0x1  }
0x15: {  	[smem:$0x3FB6] =	sst s0;
	s0 =	simm.s32 @!p2 $0x0  }
0x16: {  	s3 =	sld [smem:$0x3FDB];
	s0 =	simm.s32 @p2 $0x1  }
0x17: {  	s4 =	simm.s32 $0x1BF5;
	[smem:$0x3FB8] =	sst s0  }
0x18: {  	s0 =	sld [smem:$0x3F9B];
	_ =	swait.ge [sflag:s4], $0x0  }
0x19: {  	s7 =	sld [smem:$0x3F9C]  }
0x1a: {  	s8 =	sadd.s32 $0xFFFFE003, lr  }
0x1b: {  	s9 =	sadd.s32 $0xFFFFFEF7, lr;
	s5 =	simm.s32 $0xFFFFFFFF;
	p2 =	slt.u32 s8, $0xFFFFF086  }
0x1c: {  	p1 =	slt.u32 s9, $0xF7A;
	s5 =	simm.s32 @!p2 $0x0  }
0x1d: {  	s5 =	simm.s32 @p1 $0x1;
	p0 =	seq.s32 s7, s2  }
0x1e: {  	s7 =	smul.u32 @!p0 $0xF7A, s2;
	p2 =	seq.s32 @!p0 s5, $0x0  }
0x1f: {  	s9 =	smul.u32 $0xF7A, s1;
	s8 =	simm.s32 @!p0 $0x1BF5;
	p2 =	por !p2, p0  }
0x20: {  	[sflag:s8] =	ssyncset.s32 @!p0 $0xFFFFF086;
	s6 =	sadd.s32 @!p0 s3, s7;
	s7 =	simm.s32 @!p0 $0x108  }
0x21: {  	s3 =	sadd.s32 s3, s9;
	s6 =	sadd.s32 @!p0 $0x88, s6;
	s7 =	simm.s32 @p2 $0x1082  }
0x22: {  	[simem:s7], [sflag:s8] =	dma.local @!p0 [hbm:s6], $0xF7A  }
0x23: {  	s9 =	sor.u32 $0xD0000000, s2;
	s6 =	simm.s32 $0x108;
	_ =	swait.ge @!p0 [sflag:s8], $0x0  }
0x24: {  	s3 =	sadd.s32 $0x88, s3;
	s6 =	simm.s32 @!p1 $0x1082;
	[sflag:s4] =	ssyncset.s32 $0xFFFFF086  }
0x25: {  	[simem:s6], [sflag:s4] =	dma.local [hbm:s3], $0xF7A  }
0x26: {  	[smem:$0x3F9C] =	sst s1;
	(tag) =	ssettag s2;
	_ =	strace s9  }
0x27: {  	s1 =	sld [smem:$0x3FAC]  }
0x28: {  	s2 =	sld [smem:$0x3FAD]  }
0x29: {  	s4 =	sld [smem:$0x3FAF]  }
0x2a: {  	p0 =	seq.s32 s5, $0x0;
	s5 =	sld [smem:$0x3FB0]  }
0x2b: {  	s6 =	sld [smem:$0x3FB1]  }
0x2c: {  	s7 =	sld [smem:$0x3FB2]  }
0x2d: {  	s3 =	simm.s32 $0x108;
	s8 =	sld [smem:$0x3FB3]  }
0x2e: {  	s3 =	simm.s32 @!p0 $0x1082;
	s9 =	sld [smem:$0x3FB4]  }
0x2f: {  	lr =	sadd.s32 s0, s3;
	s0 =	sld [smem:$0x3FAB]  }
0x30: {  	s3 =	sld [smem:$0x3FAE]  }
0x31: {  	[smem:$0x3FB7] =	sst s10  }
0x32: {  	s10 =	sld [smem:$0x3FB5];
	_ =	sdelay $0x3  }
0x33: {  	p0 =	seq.s32 s10, $0x1;
	s10 =	sld [smem:$0x3FB7];
	_ =	sdelay $0x3  }
0x34: {  	[smem:$0x3FB7] =	sst s10  }
0x35: {  	s10 =	sld [smem:$0x3FB6];
	_ =	sdelay $0x3  }
0x36: {  	p1 =	seq.s32 s10, $0x1;
	s10 =	sld [smem:$0x3FB7];
	_ =	sdelay $0x3  }
0x37: {  	[smem:$0x3FB7] =	sst s10  }
0x38: {  	s10 =	sld [smem:$0x3FB8]  }
0x39: {  	_ = 	snop;
	(pc) =	sbr.ind lr, $3  }
0x3a: {  	_ = 	snop  }
0x3b: {  	_ = 	snop  }
0x3c: {  	p2 =	seq.s32 s10, $0x1;
	s10 =	sld [smem:$0x3FB7]  }
0x3d: {  	_ =	shalt  }
0x3e: {  	_ =	shalt  }
0x3f: {  	_ =	shalt  }
0x40: {  	_ =	shalt  }
0x41: {  	_ =	shalt  }
0x42: {  	_ =	shalt  }
0x43: {  	_ =	shalt  }
0x44: {  	_ =	shalt  }
0x45: {  	_ =	shalt  }
0x46: {  	_ =	shalt  }
0x47: {  	_ =	shalt  }
0x48: {  	_ =	shalt  }
0x49: {  	_ =	shalt  }
0x4a: {  	_ =	shalt  }
0x4b: {  	_ =	shalt  }
0x4c: {  	_ =	shalt  }
0x4d: {  	_ =	shalt  }
0x4e: {  	_ =	shalt  }
0x4f: {  	_ =	shalt  }
0x50: {  	_ =	shalt  }
0x51: {  	_ =	shalt  }
0x52: {  	_ =	shalt  }
0x53: {  	_ =	shalt  }
0x54: {  	_ =	shalt  }
0x55: {  	_ =	shalt  }
0x56: {  	_ =	shalt  }
0x57: {  	_ =	shalt  }
0x58: {  	_ =	shalt  }
0x59: {  	_ =	shalt  }
0x5a: {  	_ =	shalt  }
0x5b: {  	_ =	shalt  }
0x5c: {  	_ =	shalt  }
0x5d: {  	_ =	shalt  }
0x5e: {  	_ =	shalt  }
0x5f: {  	_ =	shalt  }
0x60: {  	_ =	shalt  }
0x61: {  	_ =	shalt  }
0x62: {  	_ =	shalt  }
0x63: {  	_ =	shalt  }
0x64: {  	_ =	shalt  }
0x65: {  	_ =	shalt  }
0x66: {  	_ =	shalt  }
0x67: {  	_ =	shalt  }
0x68: {  	_ =	shalt  }
0x69: {  	_ =	shalt  }
0x6a: {  	_ =	shalt  }
0x6b: {  	_ =	shalt  }
0x6c: {  	_ =	shalt  }
0x6d: {  	_ =	shalt  }
0x6e: {  	_ =	shalt  }
0x6f: {  	_ =	shalt  }
0x70: {  	_ =	shalt  }
0x71: {  	_ =	shalt  }
0x72: {  	_ =	shalt  }
0x73: {  	_ =	shalt  }
0x74: {  	_ =	shalt  }
0x75: {  	_ =	shalt  }
0x76: {  	_ =	shalt  }
0x77: {  	_ =	shalt  }
0x78: {  	_ =	shalt  }
0x79: {  	_ =	shalt  }
0x7a: {  	_ =	shalt  }
0x7b: {  	_ =	shalt  }
0x7c: {  	_ =	shalt  }
0x7d: {  	_ =	shalt  }
0x7e: {  	_ =	shalt  }
0x7f: {  	_ =	shalt  }
0x80: {  	_ =	shalt  }
0x81: {  	_ =	shalt  }
0x82: {  	_ =	shalt  }
0x83: {  	_ =	shalt  }
0x84: {  	_ =	shalt  }
0x85: {  	_ =	shalt  }
0x86: {  	_ =	shalt  }
0x87: {  	_ =	shalt  }
.Lfunc_end0:
.L_simem_size_0:
called_computation_lowered:
.L_overlay_start_0:
0x88: {  	s2 =	sld [smem:$0x3FD9]  }
0x89: {  	s3 =	sld [smem:$0x3FFE];
	_ =	sdelay $0x1  }
0x8a: {  	s1 =	srdreg.scid  }
0x8b: {  	s0 =	sand.u32 $0x1, s1  }
0x8c: {  	s17 =	sshll.u32 s0, $0xA;
	s2 =	sadd.s32 s3, s2  }
0x8d: {  	s2 =	sadd.s32 s2, s17  }
0x8e: {  	[smem:$0x3FC3] =	sst s2  }
0x8f: {  	_ = 	snop  }
0x90: {  	s2 =	sld [smem:$0x3FC9]  }
0x91: {  	s18 =	sld [smem:$0x3FC8]  }
0x92: {  	s4 =	sld [smem:$0x3FC7]  }
0x93: {  	s5 =	sld [smem:$0x3FC6]  }
0x94: {  	s6 =	sld [smem:$0x3FC5];
	(tm) =	ssettm $0x1  }
0x95: {  	s7 =	sld [smem:$0x3FFB];
	_ =	sdelay $0x3  }
0x96: {  	_ =	strace s7  }
0x97: {  	s7 =	sld [smem:$0x3FFC];
	_ =	sdelay $0x3  }
0x98: {  	_ =	strace s7  }
0x99: {  	s7 =	sld [smem:$0x3FFD];
	_ =	sdelay $0x3  }
0x9a: {  	_ =	strace s7  }
0x9b: {  	_ =	strace $0x8FFFFFFF  }
0x9c: {  	s19 =	sld [smem:$0x3FDB];
	_ =	sdelay $0x1  }
0x9d: {  	s8 =	simm.s32 $_scs_section_size  }
0x9e: {  	s9 =	simm.s32 $_size__tile_overlayer_lowered;
	s10 =	simm.s32 $_tile_overlayer_lowered  }
0x9f: {  	s22 =	simm.s32 $0x1BFF;
	s21 =	sshll.u32 s10, $0x1;
	s7 =	sadd.s32 s8, s19  }
0xa0: {  	s11 =	simm.s32 $0x0;
	s20 =	sshll.u32 s9, $0x1;
	s9 =	sadd.s32 s21, s7  }
0xa1: {  	[timem:s11], [sflag:s22] =	dma.local [hbm:s9], s20  }
0xa2: {  	_ =	swait.ge [sflag:s22], s20  }
0xa3: {  	s8 =	ssub.s32 $0x0, s20;
	[sflag:s22] =	ssyncset.done $0x0  }
0xa4: {  	[sflag:s22] =	ssyncadd.s32 s8;
	_ =	sdelay $0x1  }
0xa5: {  	s23 =	simm.s32 $0x1B8B  }
0xa6: {  	_ =	swait.ge [sflag:s23], $0x1  }
0xa7: {  	[sflag:s23] =	ssyncset.done $0x0  }
0xa8: {  	s25 =	simm.s32 $0x1B8E;
	s24 =	sld [smem:$0x3FFE];
	[sflag:s23] =	ssyncadd.s32 $0xFFFFFFFF  }
0xa9: {  	s26 =	simm.s32 $execute0_lowered;
	[smem:$0x3FD2] =	sst s25  }
0xaa: {  	s9 =	sshll.u32 s26, $0x1;
	_ =	strace $0x80000046;
	[dreg:$0x1] =	wrdreg $0xFFFFFFFF  }
0xab: {  	s28 =	simm.s32 $_size_execute0_lowered;
	s7 =	sadd.s32 s7, s9;
	[dreg:$0x0] =	wrdreg $0x0  }
0xac: {  	s9 =	sshll.u32 s28, $0x1;
	[dreg:$0x2] =	wrdreg s7  }
0xad: {  	[dreg:$0x3] =	wrdreg s9  }
0xae: {  	[dreg:$0x4] =	wrdreg $0xC0  }
0xaf: {  	_ =	task [dreg:s11], $0x5FFFF  }
0xb0: {  	[dreg:$0x1] =	wrdreg $0xFFFFFFFF  }
0xb1: {  	[dreg:$0x0] =	wrdreg $0x60  }
0xb2: {  	[dreg:$0x2] =	wrdreg s2  }
0xb3: {  	[dreg:$0x3] =	wrdreg s18  }
0xb4: {  	[dreg:$0x4] =	wrdreg s4  }
0xb5: {  	[dreg:$0x5] =	wrdreg s5  }
0xb6: {  	[dreg:$0x6] =	wrdreg s6  }
0xb7: {  	[dreg:$0x7] =	wrdreg s24  }
0xb8: {  	[dreg:$0x8] =	wrdreg $0x9  }
0xb9: {  	_ =	task.clear_ibuf [dreg:s11], $0x9FFFF;
	_ =	strace $0x90000046  }
0xba: {  	s29 =	simm.s32 $0x9;
	_ =	strace $0x80000048  }
0xbb: {  	_ =	swait.ge [sflag:s29], $0x1  }
0xbc: {  	[sflag:s29] =	ssyncadd.s32 $0xFFFFFFFF  }
0xbd: {  	_ =	strace $0x90000048  }
0xbe: {  	_ =	sfence  }
0xbf: {  	s30 =	sld [smem:$0x0];
	_ =	sdelay $0x2  }
0xc0: {  	s31 =	sshll.u32 s1, $0xD;
	s1 =	sshrl.u32 s1, $0x2  }
0xc1: {  	s3 =	sand.u32 $0x4000, s31;
	s1 =	sadd.s32 s1, s30  }
0xc2: {  	s0 =	sor.u32 s3, s0;
	s1 =	sshll.u32 s1, $0x11  }
0xc3: {  	s0 =	sor.u32 s1, s0  }
0xc4: {  	s0 =	sadd.s32 $0x8F2B, s0  }
0xc5: {  	[sflag:s0] =	ssyncadd.remote.s32 $0x1  }
0xc6: {  	_ =	sfence.sel $0xFFFF  }
0xc7: {  	[dreg:$0x0] =	wrdreg $0xFFFFFFFF;
	(pc) =	sbr.abs _section_cstart, $3  }
0xc8: {  	[dreg:$0x1] =	wrdreg $0xFFFFFFFF  }
0xc9: {  	_ =	task.clear_ibuf [dreg:s11], $0x2FFFF;
	_ =	strace $0x9FFFFFFF  }
0xca: {  	(tm) =	ssettm $0x7FFFFFFF  }
0xcb: {  	_ =	shalt  }
tec
execute0_lowered:
.L_overlay_start_1:
0x0: {  	(tag) =	ssettag $0x1  }
0x1: {  	s0 =	rddreg [dreg:$0x0]  }
0x2: {  	s2 =	rddreg [dreg:$0x1]  }
0x3: {  	s7 =	rddreg [dreg:$0x2]  }
0x4: {  	s1 =	rddreg [dreg:$0x3]  }
0x5: {  	s3 =	rddreg [dreg:$0x4];
	s4 =	srdreg.scid  }
0x6: {  	s8 =	stileid.u32;
	s5 =	rddreg [dreg:$0x5];
	s14 =	simm.s32 $0x1400  }
0x7: {  	s13 =	simm.s32 $0x80;
	s15 =	simm.s32 $0x20;
	s18 =	simm.s32 $0x10  }
0x8: {  	s21 =	simm.s32 $0x8800;
	s22 =	simm.s32 $0xC800;
	s23 =	simm.s32 $0x12000  }
0x9: {  	s24 =	simm.s32 $0x16000;
	s25 =	simm.s32 $0x1;
	s26 =	simm.s32 $0x16800  }
0xa: {  	s28 =	simm.s32 $0x2;
	s29 =	simm.s32 $0x17000;
	s30 =	simm.s32 $0x3  }
0xb: {  	s6 =	sand.u32 $0x1, s4;
	s8 =	sshll.u32 s8, $0x1;
	s4 =	simm.s32 $0x0  }
0xc: {  	s31 =	simm.s32 $0x4;
	s8 =	sor.u32 s6, s8;
	[smem:$0x7FF] =	sst s4  }
0xd: {  	s6 =	ssub.s32 $0x2, s6;
	s9 =	smul.u32 $0x280, s8;
	s10 =	sshll.u32 s8, $0xD  }
0xe: {  	s11 =	sshrl.u32 s6, $0x1;
	s8 =	smul.u32 $0x240, s8;
	_ =	strace $0x80000047  }
0xf: {  	s10 =	sadd.s32 s10, s5;
	s11 =	ssub.s32 s6, s11;
	s5 =	sadd.s32 s0, s9  }
0x10: {  	s6 =	sadd.s32 s2, s8;
	s7 =	sadd.s32 s7, s8;
	s8 =	sadd.s32 $0x400, s10  }
0x11: {  	s9 =	smax.u32 s11, $0x1;
	s10 =	simm.s32 $0x5;
	s2 =	simm.s32 $0x0  }
.LBB2_1:
0x12: {  	[tilespmem:s4], [sflag:$0x5] =	stream.linear.gather [hbm4b:s5+s4], $0x1400, $0x38;
	[tilespmem:$0x17800] =	vst v63  }
0x13: {  	_ =	swait.ge [sflag:s10], $0x1400  }
0x14: {  	[sflag:s10] =	ssyncset.done $0x0  }
0x15: {  	[sflag:s10] =	ssyncadd.s32 $0xFFFFEC00  }
0x16: {  	[tilespmem:s14], [sflag:$0x5] =	stream.linear.gather [hbm4b:s6+s4], $0x1200, $0x38;
	[tilespmem:$0x17800] =	vst v63  }
0x17: {  	_ =	swait.ge [sflag:s10], $0x1200  }
0x18: {  	[sflag:s10] =	ssyncset.done $0x0  }
0x19: {  	s0 =	simm.s32 $0x2600;
	[sflag:s10] =	ssyncadd.s32 $0xFFFFEE00  }
0x1a: {  	[tilespmem:s0], [sflag:$0x5] =	stream.linear.gather [hbm4b:s7+s4], $0x1200, $0x38;
	[tilespmem:$0x17800] =	vst v63  }
0x1b: {  	_ =	swait.ge [sflag:s10], $0x1200  }
0x1c: {  	[sflag:s10] =	ssyncset.done $0x0  }
0x1d: {  	s0 =	simm.s32 $0x0;
	[sflag:s10] =	ssyncadd.s32 $0xFFFFEE00  }
0x1e: {  	v0 =	vld [tilespmem:s0+$0x2600]  }
0x1f: {  	v1 =	vld [tilespmem:s0+$0x1400];
	_ =	sdelay $0x3  }
0x20: {  	vm0 =	veq.s32 v0, $0x0  }
0x21: {  	s12 =	simm.s32 $0x10;
	s11 =	simm.s32 $0x80;
	v0 =	vsel vm0, $0x100, v1  }
.LBB2_2:
0x22: {  	p0 =	sne.s32 s11, $0x47C0;
	v1 =	vld [tilespmem:s12+$0x2600];
	[tilespmem:s0+$0x1400] =	vst v0;
	s0 =	smov.u32 s12  }
0x23: {  	v0 =	vld [tilespmem:s0+$0x1400]  }
.Ltmp0:
0x24: {  	(pc) =	sbr.rel @p0 .LBB2_2-.Ltmp0, $3  }
0x25: {  	_ =	sdelay $0x1  }
0x26: {  	vm0 =	veq.s32 v1, $0x0  }
0x27: {  	s12 =	sshra.s32 s11, $0x2;
	s11 =	sadd.s32 $0x40, s11;
	v0 =	vsel vm0, $0x100, v0  }
0x28: {  	v1 =	vld [tilespmem:s12+$0x2600];
	[tilespmem:s0+$0x1400] =	vst v0  }
0x29: {  	v0 =	vld [tilespmem:s12+$0x1400];
	_ =	sdelay $0x3  }
0x2a: {  	vm0 =	veq.s32 v1, $0x0  }
0x2b: {  	v0 =	vsel vm0, $0x100, v0  }
0x2c: {  	s0 =	simm.s32 $0x0;
	s11 =	simm.s32 $0x3800;
	[tilespmem:s12+$0x1400] =	vst v0  }
0x2d: {  	[tilespmem:s11], [sflag:$0x1] =	stream.indirect.gather [hbm4b:s1+s13], $0x80, s0, s13, $0xb8;
	[tilespmem:$0x17800] =	vst v63  }
0x2e: {  	s16 =	simm.s32 $0x7800  }
0x2f: {  	[tilespmem:s16], [sflag:$0x1] =	stream.indirect.gather [hbm4b:s1+s15], $0x80, s13, s15, $0xb8;
	[tilespmem:$0x17800] =	vst v63  }
0x30: {  	s17 =	simm.s32 $0xD800  }
0x31: {  	[tilespmem:s17], [sflag:$0x1] =	stream.indirect.gather [hbm4b:s3+s13], $0x80, s14, s13, $0xb8;
	[tilespmem:$0x17800] =	vst v63  }
0x32: {  	s19 =	simm.s32 $0x1480;
	s20 =	simm.s32 $0x11800  }
0x33: {  	[tilespmem:s20], [sflag:$0x1] =	stream.indirect.gather [hbm4b:s3+s18], $0x80, s19, s18, $0xb8;
	[tilespmem:$0x17800] =	vst v63  }
.LBB2_4:
0x34: {  	s12 =	sshllo.u32 s0, $0x1  }
0x35: {  	s11 =	smul.u32 $0x280, s12;
	_ =	sdelay $0x1  }
0x36: {  	s14 =	smul.u32 $0x240, s12;
	s11 =	sshra.s32 s11, $0x2  }
0x37: {  	[tilespmem:s21], [sflag:$0x2] =	stream.indirect.gather [hbm4b:s1+s13], $0x80, s11, s13, $0xb8;
	[tilespmem:$0x17800] =	vst v63  }
0x38: {  	s20 =	sshra.s32 s14, $0x2;
	s11 =	sadd.s32 $0x80, s11  }
0x39: {  	[tilespmem:s22], [sflag:$0x2] =	stream.indirect.gather [hbm4b:s1+s15], $0x80, s11, s15, $0xb8;
	[tilespmem:$0x17800] =	vst v63  }
0x3a: {  	s14 =	sadd.s32 $0x1400, s20  }
0x3b: {  	[tilespmem:s23], [sflag:$0x2] =	stream.indirect.gather [hbm4b:s3+s13], $0x80, s14, s13, $0xb8;
	[tilespmem:$0x17800] =	vst v63  }
0x3c: {  	s11 =	sadd.s32 $0x1480, s20  }
0x3d: {  	[tilespmem:s24], [sflag:$0x2] =	stream.indirect.gather [hbm4b:s3+s18], $0x80, s11, s18, $0xb8;
	[tilespmem:$0x17800] =	vst v63  }
0x3e: {  	_ =	swait.ge [sflag:s25], $0x4000  }
0x3f: {  	[sflag:s25] =	ssyncset.done $0x0  }
0x40: {  	[sflag:s25] =	ssyncadd.s32 $0xFFFFC000  }
0x41: {  	_ =	swait.ge [sflag:s25], $0x1000  }
0x42: {  	[sflag:s25] =	ssyncset.done $0x0  }
0x43: {  	[sflag:s25] =	ssyncadd.s32 $0xFFFFF000  }
0x44: {  	_ =	swait.ge [sflag:s25], $0x4000  }
0x45: {  	[sflag:s25] =	ssyncset.done $0x0  }
0x46: {  	[sflag:s25] =	ssyncadd.s32 $0xFFFFC000  }
0x47: {  	_ =	swait.ge [sflag:s25], $0x800  }
0x48: {  	p0 =	seq.s32 s0, $0x0;
	[sflag:s25] =	ssyncset.done $0x0  }
0x49: {  	s11 =	simm.s32 @!p0 $0x3;
	[sflag:s25] =	ssyncadd.s32 $0xFFFFF800  }
0x4a: {  	_ =	swait.ge @!p0 [sflag:s11], $0x800  }
0x4b: {  	[sflag:s11] =	ssyncset.done @!p0 $0x0  }
0x4c: {  	s14 =	simm.s32 $0x3A80;
	[sflag:s11] =	ssyncadd.s32 @!p0 $0xFFFFF800  }
0x4d: {  	v0 =	vld [tilespmem:s14+$0xFFFFFE00]  }
0x4e: {  	v1 =	vld [tilespmem:s14+$0xFFFFFD80];
	_ =	sdelay $0x1  }
0x4f: {  	v2 =	vld [tilespmem:s14+$0xFFFFFE80];
	_ =	sdelay $0x1  }
0x50: {  	v3 =	vld [tilespmem:s14+$0xFFFFFF00]  }
0x51: {  	v0 =	vadd.f32 v0, v1  }
0x52: {  	v1 =	vld [tilespmem:s14+$0xFFFFFF80]  }
0x53: {  	v0 =	vadd.f32 v2, v0  }
0x54: {  	v2 =	vld [tilespmem:s14+$0x0]  }
0x55: {  	v0 =	vadd.f32 v3, v0  }
0x56: {  	v3 =	vld [tilespmem:s14+$0x80]  }
0x57: {  	v0 =	vadd.f32 v1, v0  }
0x58: {  	v1 =	vld [tilespmem:s14+$0x100]  }
0x59: {  	v0 =	vadd.f32 v2, v0  }
0x5a: {  	v2 =	vld [tilespmem:s14+$0x180]  }
0x5b: {  	v0 =	vadd.f32 v3, v0  }
0x5c: {  	v3 =	vld [tilespmem:s14+$0x200]  }
0x5d: {  	s16 =	simm.s32 $0xDA20;
	v0 =	vadd.f32 v1, v0  }
0x5e: {  	v1 =	vld [tilespmem:s16+$0xFFFFFDE0]  }
0x5f: {  	v0 =	vadd.f32 v2, v0  }
0x60: {  	v2 =	vld [tilespmem:s16+$0xFFFFFE60]  }
0x61: {  	v0 =	vadd.f32 v3, v0  }
0x62: {  	v3 =	vld [tilespmem:s16+$0xFFFFFEE0]  }
0x63: {  	v0 =	vadd.f32 v1, v0  }
0x64: {  	v1 =	vld [tilespmem:s16+$0xFFFFFF60]  }
0x65: {  	v0 =	vadd.f32 v2, v0  }
0x66: {  	v2 =	vld [tilespmem:s16+$0xFFFFFFE0]  }
0x67: {  	v0 =	vadd.f32 v3, v0  }
0x68: {  	v3 =	vld [tilespmem:s16+$0x60]  }
0x69: {  	v0 =	vadd.f32 v1, v0  }
0x6a: {  	v1 =	vld [tilespmem:s16+$0xE0]  }
0x6b: {  	v0 =	vadd.f32 v2, v0  }
0x6c: {  	v2 =	vld [tilespmem:s16+$0x160]  }
0x6d: {  	v0 =	vadd.f32 v3, v0  }
0x6e: {  	v3 =	vld [tilespmem:s16+$0x1E0]  }
0x6f: {  	v0 =	vadd.f32 v1, v0;
	_ =	sdelay $0x1  }
0x70: {  	v0 =	vadd.f32 v2, v0;
	_ =	sdelay $0x1  }
0x71: {  	v0 =	vadd.f32 v3, v0  }
0x72: {  	s17 =	simm.s32 $0x0  }
0x73: {  	[tilespmem:s17+$0x16800] =	vst v0  }
0x74: {  	v0 =	vld [tilespmem:s14+$0xFFFFFD90]  }
0x75: {  	v1 =	vld [tilespmem:s14+$0xFFFFFE10];
	_ =	sdelay $0x1  }
0x76: {  	v2 =	vld [tilespmem:s14+$0xFFFFFE90];
	_ =	sdelay $0x1  }
0x77: {  	v3 =	vld [tilespmem:s14+$0xFFFFFF10]  }
0x78: {  	v0 =	vadd.f32 v1, v0  }
0x79: {  	v1 =	vld [tilespmem:s14+$0xFFFFFF90]  }
0x7a: {  	v0 =	vadd.f32 v2, v0  }
0x7b: {  	v2 =	vld [tilespmem:s14+$0x10]  }
0x7c: {  	v0 =	vadd.f32 v3, v0  }
0x7d: {  	v3 =	vld [tilespmem:s14+$0x90]  }
0x7e: {  	v0 =	vadd.f32 v1, v0  }
0x7f: {  	v1 =	vld [tilespmem:s14+$0x110]  }
0x80: {  	v0 =	vadd.f32 v2, v0  }
0x81: {  	v2 =	vld [tilespmem:s14+$0x190]  }
0x82: {  	v0 =	vadd.f32 v3, v0  }
0x83: {  	v3 =	vld [tilespmem:s14+$0x210]  }
0x84: {  	v0 =	vadd.f32 v1, v0  }
0x85: {  	v1 =	vld [tilespmem:s16+$0xFFFFFDF0]  }
0x86: {  	v0 =	vadd.f32 v2, v0  }
0x87: {  	v2 =	vld [tilespmem:s16+$0xFFFFFE70]  }
0x88: {  	v0 =	vadd.f32 v3, v0  }
0x89: {  	v3 =	vld [tilespmem:s16+$0xFFFFFEF0]  }
0x8a: {  	v0 =	vadd.f32 v1, v0  }
0x8b: {  	v1 =	vld [tilespmem:s16+$0xFFFFFF70]  }
0x8c: {  	v0 =	vadd.f32 v2, v0  }
0x8d: {  	v2 =	vld [tilespmem:s16+$0xFFFFFFF0]  }
0x8e: {  	v0 =	vadd.f32 v3, v0  }
0x8f: {  	v3 =	vld [tilespmem:s16+$0x70]  }
0x90: {  	v0 =	vadd.f32 v1, v0  }
0x91: {  	v1 =	vld [tilespmem:s16+$0xF0]  }
0x92: {  	v0 =	vadd.f32 v2, v0  }
0x93: {  	v2 =	vld [tilespmem:s16+$0x170]  }
0x94: {  	v0 =	vadd.f32 v3, v0  }
0x95: {  	v3 =	vld [tilespmem:s16+$0x1F0]  }
0x96: {  	v0 =	vadd.f32 v1, v0;
	_ =	sdelay $0x1  }
0x97: {  	v0 =	vadd.f32 v2, v0;
	_ =	sdelay $0x1  }
0x98: {  	v0 =	vadd.f32 v3, v0;
	_ =	sdelay $0x1  }
0x99: {  	[tilespmem:s17+$0x16810] =	vst v0  }
0x9a: {  	v0 =	vld [tilespmem:s14+$0xFFFFFDA0]  }
0x9b: {  	v1 =	vld [tilespmem:s14+$0xFFFFFE20];
	_ =	sdelay $0x1  }
0x9c: {  	v2 =	vld [tilespmem:s14+$0xFFFFFEA0];
	_ =	sdelay $0x1  }
0x9d: {  	v3 =	vld [tilespmem:s14+$0xFFFFFF20]  }
0x9e: {  	v0 =	vadd.f32 v1, v0  }
0x9f: {  	v1 =	vld [tilespmem:s14+$0xFFFFFFA0]  }
0xa0: {  	v0 =	vadd.f32 v2, v0  }
0xa1: {  	v2 =	vld [tilespmem:s14+$0x20]  }
0xa2: {  	v0 =	vadd.f32 v3, v0  }
0xa3: {  	v3 =	vld [tilespmem:s14+$0xA0]  }
0xa4: {  	v0 =	vadd.f32 v1, v0  }
0xa5: {  	v1 =	vld [tilespmem:s14+$0x120]  }
0xa6: {  	v0 =	vadd.f32 v2, v0  }
0xa7: {  	v2 =	vld [tilespmem:s14+$0x1A0]  }
0xa8: {  	v0 =	vadd.f32 v3, v0  }
0xa9: {  	v3 =	vld [tilespmem:s14+$0x220]  }
0xaa: {  	v0 =	vadd.f32 v1, v0  }
0xab: {  	v1 =	vld [tilespmem:s16+$0xFFFFFE00]  }
0xac: {  	v0 =	vadd.f32 v2, v0  }
0xad: {  	v2 =	vld [tilespmem:s16+$0xFFFFFE80]  }
0xae: {  	v0 =	vadd.f32 v3, v0  }
0xaf: {  	v3 =	vld [tilespmem:s16+$0xFFFFFF00]  }
0xb0: {  	v0 =	vadd.f32 v1, v0  }
0xb1: {  	v1 =	vld [tilespmem:s16+$0xFFFFFF80]  }
0xb2: {  	v0 =	vadd.f32 v2, v0  }
0xb3: {  	v2 =	vld [tilespmem:s16+$0x0]  }
0xb4: {  	v0 =	vadd.f32 v3, v0  }
0xb5: {  	v3 =	vld [tilespmem:s16+$0x80]  }
0xb6: {  	v0 =	vadd.f32 v1, v0  }
0xb7: {  	v1 =	vld [tilespmem:s16+$0x100]  }
0xb8: {  	v0 =	vadd.f32 v2, v0  }
0xb9: {  	v2 =	vld [tilespmem:s16+$0x180]  }
0xba: {  	v0 =	vadd.f32 v3, v0  }
0xbb: {  	v3 =	vld [tilespmem:s16+$0x200]  }
0xbc: {  	v0 =	vadd.f32 v1, v0;
	_ =	sdelay $0x1  }
0xbd: {  	v0 =	vadd.f32 v2, v0;
	_ =	sdelay $0x1  }
0xbe: {  	v0 =	vadd.f32 v3, v0;
	_ =	sdelay $0x1  }
0xbf: {  	[tilespmem:s17+$0x16820] =	vst v0  }
0xc0: {  	v0 =	vld [tilespmem:s14+$0xFFFFFDB0]  }
0xc1: {  	v1 =	vld [tilespmem:s14+$0xFFFFFE30];
	_ =	sdelay $0x1  }
0xc2: {  	v2 =	vld [tilespmem:s14+$0xFFFFFEB0];
	_ =	sdelay $0x1  }
0xc3: {  	v3 =	vld [tilespmem:s14+$0xFFFFFF30]  }
0xc4: {  	v0 =	vadd.f32 v1, v0  }
0xc5: {  	v1 =	vld [tilespmem:s14+$0xFFFFFFB0]  }
0xc6: {  	v0 =	vadd.f32 v2, v0  }
0xc7: {  	v2 =	vld [tilespmem:s14+$0x30]  }
0xc8: {  	v0 =	vadd.f32 v3, v0  }
0xc9: {  	v3 =	vld [tilespmem:s14+$0xB0]  }
0xca: {  	v0 =	vadd.f32 v1, v0  }
0xcb: {  	v1 =	vld [tilespmem:s14+$0x130]  }
0xcc: {  	v0 =	vadd.f32 v2, v0  }
0xcd: {  	v2 =	vld [tilespmem:s14+$0x1B0]  }
0xce: {  	v0 =	vadd.f32 v3, v0  }
0xcf: {  	v3 =	vld [tilespmem:s14+$0x230]  }
0xd0: {  	v0 =	vadd.f32 v1, v0  }
0xd1: {  	v1 =	vld [tilespmem:s16+$0xFFFFFE10]  }
0xd2: {  	v0 =	vadd.f32 v2, v0  }
0xd3: {  	v2 =	vld [tilespmem:s16+$0xFFFFFE90]  }
0xd4: {  	v0 =	vadd.f32 v3, v0  }
0xd5: {  	v3 =	vld [tilespmem:s16+$0xFFFFFF10]  }
0xd6: {  	v0 =	vadd.f32 v1, v0  }
0xd7: {  	v1 =	vld [tilespmem:s16+$0xFFFFFF90]  }
0xd8: {  	v0 =	vadd.f32 v2, v0  }
0xd9: {  	v2 =	vld [tilespmem:s16+$0x10]  }
0xda: {  	v0 =	vadd.f32 v3, v0  }
0xdb: {  	v3 =	vld [tilespmem:s16+$0x90]  }
0xdc: {  	v0 =	vadd.f32 v1, v0  }
0xdd: {  	v4 =	vld [tilespmem:s16+$0x110]  }
0xde: {  	v0 =	vadd.f32 v2, v0  }
0xdf: {  	v1 =	vld [tilespmem:s16+$0x190]  }
0xe0: {  	v2 =	vadd.f32 v3, v0  }
0xe1: {  	v0 =	vld [tilespmem:s16+$0x210]  }
0xe2: {  	s19 =	sshll.u32 s0, $0x1;
	s20 =	simm.s32 $0x200;
	v2 =	vadd.f32 v4, v2  }
.LBB2_5:
0xe3: {  	_ = 	snop  }
0xe4: {  	p1 =	sne.s32 s20, $0x1E00;
	s16 =	sadd.s32 $0x480, s16;
	s14 =	sadd.s32 $0x500, s14;
	v1 =	vadd.f32 v1, v2  }
0xe5: {  	s11 =	smov.u32 s20;
	s20 =	sadd.s32 $0x200, s20  }
0xe6: {  	v0 =	vadd.f32 v0, v1;
	_ =	sdelay $0x1  }
0xe7: {  	[tilespmem:s17+$0x16830] =	vst v0  }
0xe8: {  	v0 =	vld [tilespmem:s14+$0xFFFFFE00]  }
0xe9: {  	v1 =	vld [tilespmem:s14+$0xFFFFFD80];
	_ =	sdelay $0x1  }
0xea: {  	v2 =	vld [tilespmem:s14+$0xFFFFFE80];
	_ =	sdelay $0x1  }
0xeb: {  	v3 =	vld [tilespmem:s14+$0xFFFFFF00]  }
0xec: {  	v0 =	vadd.f32 v0, v1  }
0xed: {  	v1 =	vld [tilespmem:s14+$0xFFFFFF80]  }
0xee: {  	v0 =	vadd.f32 v2, v0  }
0xef: {  	v2 =	vld [tilespmem:s14+$0x0]  }
0xf0: {  	v0 =	vadd.f32 v3, v0  }
0xf1: {  	v3 =	vld [tilespmem:s14+$0x80]  }
0xf2: {  	v0 =	vadd.f32 v1, v0  }
0xf3: {  	v1 =	vld [tilespmem:s14+$0x100]  }
0xf4: {  	v0 =	vadd.f32 v2, v0  }
0xf5: {  	v2 =	vld [tilespmem:s14+$0x180]  }
0xf6: {  	v0 =	vadd.f32 v3, v0  }
0xf7: {  	v3 =	vld [tilespmem:s14+$0x200]  }
0xf8: {  	v0 =	vadd.f32 v1, v0  }
0xf9: {  	v1 =	vld [tilespmem:s16+$0xFFFFFDE0]  }
0xfa: {  	v0 =	vadd.f32 v2, v0  }
0xfb: {  	v2 =	vld [tilespmem:s16+$0xFFFFFE60]  }
0xfc: {  	v0 =	vadd.f32 v3, v0  }
0xfd: {  	v3 =	vld [tilespmem:s16+$0xFFFFFEE0]  }
0xfe: {  	v0 =	vadd.f32 v1, v0  }
0xff: {  	v1 =	vld [tilespmem:s16+$0xFFFFFF60]  }
0x100: {  	v0 =	vadd.f32 v2, v0  }
0x101: {  	v2 =	vld [tilespmem:s16+$0xFFFFFFE0]  }
0x102: {  	v0 =	vadd.f32 v3, v0  }
0x103: {  	v3 =	vld [tilespmem:s16+$0x60]  }
0x104: {  	v0 =	vadd.f32 v1, v0  }
0x105: {  	v1 =	vld [tilespmem:s16+$0xE0]  }
0x106: {  	v0 =	vadd.f32 v2, v0  }
0x107: {  	v2 =	vld [tilespmem:s16+$0x160]  }
0x108: {  	v0 =	vadd.f32 v3, v0  }
0x109: {  	v3 =	vld [tilespmem:s16+$0x1E0]  }
0x10a: {  	v0 =	vadd.f32 v1, v0;
	_ =	sdelay $0x1  }
0x10b: {  	v0 =	vadd.f32 v2, v0;
	_ =	sdelay $0x1  }
0x10c: {  	v0 =	vadd.f32 v3, v0  }
0x10d: {  	s17 =	sshra.s32 s11, $0x2  }
0x10e: {  	[tilespmem:s17+$0x16800] =	vst v0  }
0x10f: {  	v0 =	vld [tilespmem:s14+$0xFFFFFD90]  }
0x110: {  	v1 =	vld [tilespmem:s14+$0xFFFFFE10];
	_ =	sdelay $0x1  }
0x111: {  	v2 =	vld [tilespmem:s14+$0xFFFFFE90];
	_ =	sdelay $0x1  }
0x112: {  	v3 =	vld [tilespmem:s14+$0xFFFFFF10]  }
0x113: {  	v0 =	vadd.f32 v1, v0  }
0x114: {  	v1 =	vld [tilespmem:s14+$0xFFFFFF90]  }
0x115: {  	v0 =	vadd.f32 v2, v0  }
0x116: {  	v2 =	vld [tilespmem:s14+$0x10]  }
0x117: {  	v0 =	vadd.f32 v3, v0  }
0x118: {  	v3 =	vld [tilespmem:s14+$0x90]  }
0x119: {  	v0 =	vadd.f32 v1, v0  }
0x11a: {  	v1 =	vld [tilespmem:s14+$0x110]  }
0x11b: {  	v0 =	vadd.f32 v2, v0  }
0x11c: {  	v2 =	vld [tilespmem:s14+$0x190]  }
0x11d: {  	v0 =	vadd.f32 v3, v0  }
0x11e: {  	v3 =	vld [tilespmem:s14+$0x210]  }
0x11f: {  	v0 =	vadd.f32 v1, v0  }
0x120: {  	v1 =	vld [tilespmem:s16+$0xFFFFFDF0]  }
0x121: {  	v0 =	vadd.f32 v2, v0  }
0x122: {  	v2 =	vld [tilespmem:s16+$0xFFFFFE70]  }
0x123: {  	v0 =	vadd.f32 v3, v0  }
0x124: {  	v3 =	vld [tilespmem:s16+$0xFFFFFEF0]  }
0x125: {  	v0 =	vadd.f32 v1, v0  }
0x126: {  	v1 =	vld [tilespmem:s16+$0xFFFFFF70]  }
0x127: {  	v0 =	vadd.f32 v2, v0  }
0x128: {  	v2 =	vld [tilespmem:s16+$0xFFFFFFF0]  }
0x129: {  	v0 =	vadd.f32 v3, v0  }
0x12a: {  	v3 =	vld [tilespmem:s16+$0x70]  }
0x12b: {  	v0 =	vadd.f32 v1, v0  }
0x12c: {  	v1 =	vld [tilespmem:s16+$0xF0]  }
0x12d: {  	v0 =	vadd.f32 v2, v0  }
0x12e: {  	v2 =	vld [tilespmem:s16+$0x170]  }
0x12f: {  	v0 =	vadd.f32 v3, v0  }
0x130: {  	v3 =	vld [tilespmem:s16+$0x1F0]  }
0x131: {  	v0 =	vadd.f32 v1, v0;
	_ =	sdelay $0x1  }
0x132: {  	v0 =	vadd.f32 v2, v0;
	_ =	sdelay $0x1  }
0x133: {  	v0 =	vadd.f32 v3, v0;
	_ =	sdelay $0x1  }
0x134: {  	[tilespmem:s17+$0x16810] =	vst v0  }
0x135: {  	v0 =	vld [tilespmem:s14+$0xFFFFFDA0]  }
0x136: {  	v1 =	vld [tilespmem:s14+$0xFFFFFE20];
	_ =	sdelay $0x1  }
0x137: {  	v2 =	vld [tilespmem:s14+$0xFFFFFEA0];
	_ =	sdelay $0x1  }
0x138: {  	v3 =	vld [tilespmem:s14+$0xFFFFFF20]  }
0x139: {  	v0 =	vadd.f32 v1, v0  }
0x13a: {  	v1 =	vld [tilespmem:s14+$0xFFFFFFA0]  }
0x13b: {  	v0 =	vadd.f32 v2, v0  }
0x13c: {  	v2 =	vld [tilespmem:s14+$0x20]  }
0x13d: {  	v0 =	vadd.f32 v3, v0  }
0x13e: {  	v3 =	vld [tilespmem:s14+$0xA0]  }
0x13f: {  	v0 =	vadd.f32 v1, v0  }
0x140: {  	v1 =	vld [tilespmem:s14+$0x120]  }
0x141: {  	v0 =	vadd.f32 v2, v0  }
0x142: {  	v2 =	vld [tilespmem:s14+$0x1A0]  }
0x143: {  	v0 =	vadd.f32 v3, v0  }
0x144: {  	v3 =	vld [tilespmem:s14+$0x220]  }
0x145: {  	v0 =	vadd.f32 v1, v0  }
0x146: {  	v1 =	vld [tilespmem:s16+$0xFFFFFE00]  }
0x147: {  	v0 =	vadd.f32 v2, v0  }
0x148: {  	v2 =	vld [tilespmem:s16+$0xFFFFFE80]  }
0x149: {  	v0 =	vadd.f32 v3, v0  }
0x14a: {  	v3 =	vld [tilespmem:s16+$0xFFFFFF00]  }
0x14b: {  	v0 =	vadd.f32 v1, v0  }
0x14c: {  	v1 =	vld [tilespmem:s16+$0xFFFFFF80]  }
0x14d: {  	v0 =	vadd.f32 v2, v0  }
0x14e: {  	v2 =	vld [tilespmem:s16+$0x0]  }
0x14f: {  	v0 =	vadd.f32 v3, v0  }
0x150: {  	v3 =	vld [tilespmem:s16+$0x80]  }
0x151: {  	v0 =	vadd.f32 v1, v0  }
0x152: {  	v1 =	vld [tilespmem:s16+$0x100]  }
0x153: {  	v0 =	vadd.f32 v2, v0  }
0x154: {  	v2 =	vld [tilespmem:s16+$0x180]  }
0x155: {  	v0 =	vadd.f32 v3, v0  }
0x156: {  	v3 =	vld [tilespmem:s16+$0x200]  }
0x157: {  	v0 =	vadd.f32 v1, v0;
	_ =	sdelay $0x1  }
0x158: {  	v0 =	vadd.f32 v2, v0;
	_ =	sdelay $0x1  }
0x159: {  	v0 =	vadd.f32 v3, v0;
	_ =	sdelay $0x1  }
0x15a: {  	[tilespmem:s17+$0x16820] =	vst v0  }
0x15b: {  	v0 =	vld [tilespmem:s14+$0xFFFFFDB0]  }
0x15c: {  	v1 =	vld [tilespmem:s14+$0xFFFFFE30]  }
0x15d: {  	v2 =	vld [tilespmem:s14+$0xFFFFFEB0]  }
0x15e: {  	v3 =	vld [tilespmem:s14+$0xFFFFFF30]  }
0x15f: {  	v4 =	vld [tilespmem:s14+$0xFFFFFFB0]  }
0x160: {  	v5 =	vld [tilespmem:s14+$0x30]  }
0x161: {  	v0 =	vadd.f32 v1, v0;
	v1 =	vld [tilespmem:s14+$0xB0]  }
0x162: {  	v6 =	vld [tilespmem:s14+$0x130]  }
0x163: {  	v0 =	vadd.f32 v2, v0;
	v2 =	vld [tilespmem:s14+$0x1B0]  }
0x164: {  	v7 =	vld [tilespmem:s14+$0x230]  }
0x165: {  	v0 =	vadd.f32 v3, v0;
	v3 =	vld [tilespmem:s16+$0xFFFFFE10]  }
0x166: {  	v8 =	vld [tilespmem:s16+$0xFFFFFE90]  }
0x167: {  	v0 =	vadd.f32 v4, v0;
	v4 =	vld [tilespmem:s16+$0xFFFFFF10]  }
0x168: {  	v9 =	vld [tilespmem:s16+$0xFFFFFF90]  }
0x169: {  	v0 =	vadd.f32 v5, v0;
	v5 =	vld [tilespmem:s16+$0x10]  }
0x16a: {  	v10 =	vld [tilespmem:s16+$0x90]  }
0x16b: {  	v0 =	vadd.f32 v1, v0;
	v11 =	vld [tilespmem:s16+$0x110]  }
0x16c: {  	v1 =	vld [tilespmem:s16+$0x190]  }
0x16d: {  	v6 =	vadd.f32 v6, v0;
	v0 =	vld [tilespmem:s16+$0x210];
	_ =	sdelay $0x1  }
0x16e: {  	v2 =	vadd.f32 v2, v6;
	_ =	sdelay $0x1  }
0x16f: {  	v2 =	vadd.f32 v7, v2;
	_ =	sdelay $0x1  }
0x170: {  	v2 =	vadd.f32 v3, v2;
	_ =	sdelay $0x1  }
0x171: {  	v2 =	vadd.f32 v8, v2;
	_ =	sdelay $0x1  }
0x172: {  	v2 =	vadd.f32 v4, v2;
	_ =	sdelay $0x1  }
0x173: {  	v2 =	vadd.f32 v9, v2;
	_ =	sdelay $0x1  }
.Ltmp1:
0x174: {  	v2 =	vadd.f32 v5, v2;
	(pc) =	sbr.rel @p1 .LBB2_5-.Ltmp1, $3  }
0x175: {  	_ = 	snop  }
0x176: {  	v2 =	vadd.f32 v10, v2;
	_ =	sdelay $0x1  }
0x177: {  	v2 =	vadd.f32 v11, v2  }
0x178: {  	_ = 	snop  }
0x179: {  	v1 =	vadd.f32 v1, v2;
	_ =	sdelay $0x1  }
0x17a: {  	p1 =	seq.s32 s0, $0xF;
	v0 =	vadd.f32 v0, v1  }
0x17b: {  	s11 =	sshll.u32 s0, $0x9;
	s14 =	sadd.s32 @!p1 $0x2, s19  }
0x17c: {  	s11 =	sadd.s32 s11, s8;
	s19 =	simm.s32 @!p1 $0x7800;
	s16 =	smul.u32 @!p1 $0x280, s14;
	[tilespmem:s17+$0x16830] =	vst v0  }
0x17d: {  	[hbm4b:s11+s4] =	stream.linear.scatter [tilespmem:s26], [sflag:$0x3], $0x800, $0x38;
	[tilespmem:$0x17800] =	vst v63  }
0x17e: {  	s17 =	simm.s32 @!p1 $0x3800;
	s11 =	sshra.s32 @!p1 s16, $0x2;
	s16 =	simm.s32 @!p1 $0x80  }
0x17f: {  	[tilespmem:s17], [sflag:$0x1] =	stream.indirect.gather @!p1 [hbm4b:s1+s16], $0x80, s11, s16, $0xb8;
	[tilespmem:$0x17800] =	vst v63  }
0x180: {  	s14 =	smul.u32 @!p1 $0x240, s14;
	s11 =	sadd.s32 @!p1 $0x80, s11;
	s17 =	simm.s32 @!p1 $0x20  }
0x181: {  	[tilespmem:s19], [sflag:$0x1] =	stream.indirect.gather @!p1 [hbm4b:s1+s17], $0x80, s11, s17, $0xb8;
	[tilespmem:$0x17800] =	vst v63  }
0x182: {  	s11 =	sshra.s32 @!p1 s14, $0x2  }
0x183: {  	s17 =	simm.s32 @!p1 $0xD800;
	s14 =	sadd.s32 @!p1 $0x1400, s11  }
0x184: {  	[tilespmem:s17], [sflag:$0x1] =	stream.indirect.gather @!p1 [hbm4b:s3+s16], $0x80, s14, s16, $0xb8;
	[tilespmem:$0x17800] =	vst v63  }
0x185: {  	s11 =	sadd.s32 @!p1 $0x1480, s11;
	s14 =	simm.s32 @!p1 $0x10;
	s16 =	simm.s32 @!p1 $0x11800  }
0x186: {  	[tilespmem:s16], [sflag:$0x1] =	stream.indirect.gather @!p1 [hbm4b:s3+s14], $0x80, s11, s14, $0xb8;
	[tilespmem:$0x17800] =	vst v63  }
0x187: {  	_ =	swait.ge [sflag:s28], $0x4000  }
0x188: {  	[sflag:s28] =	ssyncset.done $0x0  }
0x189: {  	[sflag:s28] =	ssyncadd.s32 $0xFFFFC000  }
0x18a: {  	_ =	swait.ge [sflag:s28], $0x1000  }
0x18b: {  	[sflag:s28] =	ssyncset.done $0x0  }
0x18c: {  	[sflag:s28] =	ssyncadd.s32 $0xFFFFF000  }
0x18d: {  	_ =	swait.ge [sflag:s28], $0x4000  }
0x18e: {  	[sflag:s28] =	ssyncset.done $0x0  }
0x18f: {  	[sflag:s28] =	ssyncadd.s32 $0xFFFFC000  }
0x190: {  	_ =	swait.ge [sflag:s28], $0x800  }
0x191: {  	[sflag:s28] =	ssyncset.done $0x0  }
0x192: {  	s11 =	simm.s32 @!p0 $0x4;
	[sflag:s28] =	ssyncadd.s32 $0xFFFFF800  }
0x193: {  	_ =	swait.ge @!p0 [sflag:s11], $0x800  }
0x194: {  	[sflag:s11] =	ssyncset.done @!p0 $0x0  }
0x195: {  	s14 =	simm.s32 $0x8A80;
	[sflag:s11] =	ssyncadd.s32 @!p0 $0xFFFFF800  }
0x196: {  	v0 =	vld [tilespmem:s14+$0xFFFFFE00]  }
0x197: {  	v1 =	vld [tilespmem:s14+$0xFFFFFD80];
	_ =	sdelay $0x1  }
0x198: {  	v2 =	vld [tilespmem:s14+$0xFFFFFE80];
	_ =	sdelay $0x1  }
0x199: {  	v3 =	vld [tilespmem:s14+$0xFFFFFF00]  }
0x19a: {  	v0 =	vadd.f32 v0, v1  }
0x19b: {  	v1 =	vld [tilespmem:s14+$0xFFFFFF80]  }
0x19c: {  	v0 =	vadd.f32 v2, v0  }
0x19d: {  	v2 =	vld [tilespmem:s14+$0x0]  }
0x19e: {  	v0 =	vadd.f32 v3, v0  }
0x19f: {  	v3 =	vld [tilespmem:s14+$0x80]  }
0x1a0: {  	v0 =	vadd.f32 v1, v0  }
0x1a1: {  	v1 =	vld [tilespmem:s14+$0x100]  }
0x1a2: {  	v0 =	vadd.f32 v2, v0  }
0x1a3: {  	v2 =	vld [tilespmem:s14+$0x180]  }
0x1a4: {  	v0 =	vadd.f32 v3, v0  }
0x1a5: {  	v3 =	vld [tilespmem:s14+$0x200]  }
0x1a6: {  	s16 =	simm.s32 $0x12220;
	v0 =	vadd.f32 v1, v0  }
0x1a7: {  	v1 =	vld [tilespmem:s16+$0xFFFFFDE0]  }
0x1a8: {  	v0 =	vadd.f32 v2, v0  }
0x1a9: {  	v2 =	vld [tilespmem:s16+$0xFFFFFE60]  }
0x1aa: {  	v0 =	vadd.f32 v3, v0  }
0x1ab: {  	v3 =	vld [tilespmem:s16+$0xFFFFFEE0]  }
0x1ac: {  	v0 =	vadd.f32 v1, v0  }
0x1ad: {  	v1 =	vld [tilespmem:s16+$0xFFFFFF60]  }
0x1ae: {  	v0 =	vadd.f32 v2, v0  }
0x1af: {  	v2 =	vld [tilespmem:s16+$0xFFFFFFE0]  }
0x1b0: {  	v0 =	vadd.f32 v3, v0  }
0x1b1: {  	v3 =	vld [tilespmem:s16+$0x60]  }
0x1b2: {  	v0 =	vadd.f32 v1, v0  }
0x1b3: {  	v1 =	vld [tilespmem:s16+$0xE0]  }
0x1b4: {  	v0 =	vadd.f32 v2, v0  }
0x1b5: {  	v2 =	vld [tilespmem:s16+$0x160]  }
0x1b6: {  	v0 =	vadd.f32 v3, v0  }
0x1b7: {  	v3 =	vld [tilespmem:s16+$0x1E0]  }
0x1b8: {  	v0 =	vadd.f32 v1, v0;
	_ =	sdelay $0x1  }
0x1b9: {  	v0 =	vadd.f32 v2, v0;
	_ =	sdelay $0x1  }
0x1ba: {  	v0 =	vadd.f32 v3, v0  }
0x1bb: {  	s17 =	simm.s32 $0x0  }
0x1bc: {  	[tilespmem:s17+$0x17000] =	vst v0  }
0x1bd: {  	v0 =	vld [tilespmem:s14+$0xFFFFFD90]  }
0x1be: {  	v1 =	vld [tilespmem:s14+$0xFFFFFE10];
	_ =	sdelay $0x1  }
0x1bf: {  	v2 =	vld [tilespmem:s14+$0xFFFFFE90];
	_ =	sdelay $0x1  }
0x1c0: {  	v3 =	vld [tilespmem:s14+$0xFFFFFF10]  }
0x1c1: {  	v0 =	vadd.f32 v1, v0  }
0x1c2: {  	v1 =	vld [tilespmem:s14+$0xFFFFFF90]  }
0x1c3: {  	v0 =	vadd.f32 v2, v0  }
0x1c4: {  	v2 =	vld [tilespmem:s14+$0x10]  }
0x1c5: {  	v0 =	vadd.f32 v3, v0  }
0x1c6: {  	v3 =	vld [tilespmem:s14+$0x90]  }
0x1c7: {  	v0 =	vadd.f32 v1, v0  }
0x1c8: {  	v1 =	vld [tilespmem:s14+$0x110]  }
0x1c9: {  	v0 =	vadd.f32 v2, v0  }
0x1ca: {  	v2 =	vld [tilespmem:s14+$0x190]  }
0x1cb: {  	v0 =	vadd.f32 v3, v0  }
0x1cc: {  	v3 =	vld [tilespmem:s14+$0x210]  }
0x1cd: {  	v0 =	vadd.f32 v1, v0  }
0x1ce: {  	v1 =	vld [tilespmem:s16+$0xFFFFFDF0]  }
0x1cf: {  	v0 =	vadd.f32 v2, v0  }
0x1d0: {  	v2 =	vld [tilespmem:s16+$0xFFFFFE70]  }
0x1d1: {  	v0 =	vadd.f32 v3, v0  }
0x1d2: {  	v3 =	vld [tilespmem:s16+$0xFFFFFEF0]  }
0x1d3: {  	v0 =	vadd.f32 v1, v0  }
0x1d4: {  	v1 =	vld [tilespmem:s16+$0xFFFFFF70]  }
0x1d5: {  	v0 =	vadd.f32 v2, v0  }
0x1d6: {  	v2 =	vld [tilespmem:s16+$0xFFFFFFF0]  }
0x1d7: {  	v0 =	vadd.f32 v3, v0  }
0x1d8: {  	v3 =	vld [tilespmem:s16+$0x70]  }
0x1d9: {  	v0 =	vadd.f32 v1, v0  }
0x1da: {  	v1 =	vld [tilespmem:s16+$0xF0]  }
0x1db: {  	v0 =	vadd.f32 v2, v0  }
0x1dc: {  	v2 =	vld [tilespmem:s16+$0x170]  }
0x1dd: {  	v0 =	vadd.f32 v3, v0  }
0x1de: {  	v3 =	vld [tilespmem:s16+$0x1F0]  }
0x1df: {  	v0 =	vadd.f32 v1, v0;
	_ =	sdelay $0x1  }
0x1e0: {  	v0 =	vadd.f32 v2, v0;
	_ =	sdelay $0x1  }
0x1e1: {  	v0 =	vadd.f32 v3, v0;
	_ =	sdelay $0x1  }
0x1e2: {  	[tilespmem:s17+$0x17010] =	vst v0  }
0x1e3: {  	v0 =	vld [tilespmem:s14+$0xFFFFFDA0]  }
0x1e4: {  	v1 =	vld [tilespmem:s14+$0xFFFFFE20];
	_ =	sdelay $0x1  }
0x1e5: {  	v2 =	vld [tilespmem:s14+$0xFFFFFEA0];
	_ =	sdelay $0x1  }
0x1e6: {  	v3 =	vld [tilespmem:s14+$0xFFFFFF20]  }
0x1e7: {  	v0 =	vadd.f32 v1, v0  }
0x1e8: {  	v1 =	vld [tilespmem:s14+$0xFFFFFFA0]  }
0x1e9: {  	v0 =	vadd.f32 v2, v0  }
0x1ea: {  	v2 =	vld [tilespmem:s14+$0x20]  }
0x1eb: {  	v0 =	vadd.f32 v3, v0  }
0x1ec: {  	v3 =	vld [tilespmem:s14+$0xA0]  }
0x1ed: {  	v0 =	vadd.f32 v1, v0  }
0x1ee: {  	v1 =	vld [tilespmem:s14+$0x120]  }
0x1ef: {  	v0 =	vadd.f32 v2, v0  }
0x1f0: {  	v2 =	vld [tilespmem:s14+$0x1A0]  }
0x1f1: {  	v0 =	vadd.f32 v3, v0  }
0x1f2: {  	v3 =	vld [tilespmem:s14+$0x220]  }
0x1f3: {  	v0 =	vadd.f32 v1, v0  }
0x1f4: {  	v1 =	vld [tilespmem:s16+$0xFFFFFE00]  }
0x1f5: {  	v0 =	vadd.f32 v2, v0  }
0x1f6: {  	v2 =	vld [tilespmem:s16+$0xFFFFFE80]  }
0x1f7: {  	v0 =	vadd.f32 v3, v0  }
0x1f8: {  	v3 =	vld [tilespmem:s16+$0xFFFFFF00]  }
0x1f9: {  	v0 =	vadd.f32 v1, v0  }
0x1fa: {  	v1 =	vld [tilespmem:s16+$0xFFFFFF80]  }
0x1fb: {  	v0 =	vadd.f32 v2, v0  }
0x1fc: {  	v2 =	vld [tilespmem:s16+$0x0]  }
0x1fd: {  	v0 =	vadd.f32 v3, v0  }
0x1fe: {  	v3 =	vld [tilespmem:s16+$0x80]  }
0x1ff: {  	v0 =	vadd.f32 v1, v0  }
0x200: {  	v1 =	vld [tilespmem:s16+$0x100]  }
0x201: {  	v0 =	vadd.f32 v2, v0  }
0x202: {  	v2 =	vld [tilespmem:s16+$0x180]  }
0x203: {  	v0 =	vadd.f32 v3, v0  }
0x204: {  	v3 =	vld [tilespmem:s16+$0x200]  }
0x205: {  	v0 =	vadd.f32 v1, v0;
	_ =	sdelay $0x1  }
0x206: {  	v0 =	vadd.f32 v2, v0;
	_ =	sdelay $0x1  }
0x207: {  	v0 =	vadd.f32 v3, v0;
	_ =	sdelay $0x1  }
0x208: {  	[tilespmem:s17+$0x17020] =	vst v0  }
0x209: {  	v0 =	vld [tilespmem:s14+$0xFFFFFDB0]  }
0x20a: {  	v1 =	vld [tilespmem:s14+$0xFFFFFE30];
	_ =	sdelay $0x1  }
0x20b: {  	v2 =	vld [tilespmem:s14+$0xFFFFFEB0];
	_ =	sdelay $0x1  }
0x20c: {  	v3 =	vld [tilespmem:s14+$0xFFFFFF30]  }
0x20d: {  	v0 =	vadd.f32 v1, v0  }
0x20e: {  	v1 =	vld [tilespmem:s14+$0xFFFFFFB0]  }
0x20f: {  	v0 =	vadd.f32 v2, v0  }
0x210: {  	v2 =	vld [tilespmem:s14+$0x30]  }
0x211: {  	v0 =	vadd.f32 v3, v0  }
0x212: {  	v3 =	vld [tilespmem:s14+$0xB0]  }
0x213: {  	v0 =	vadd.f32 v1, v0  }
0x214: {  	v1 =	vld [tilespmem:s14+$0x130]  }
0x215: {  	v0 =	vadd.f32 v2, v0  }
0x216: {  	v2 =	vld [tilespmem:s14+$0x1B0]  }
0x217: {  	v0 =	vadd.f32 v3, v0  }
0x218: {  	v3 =	vld [tilespmem:s14+$0x230]  }
0x219: {  	v0 =	vadd.f32 v1, v0  }
0x21a: {  	v1 =	vld [tilespmem:s16+$0xFFFFFE10]  }
0x21b: {  	v0 =	vadd.f32 v2, v0  }
0x21c: {  	v2 =	vld [tilespmem:s16+$0xFFFFFE90]  }
0x21d: {  	v0 =	vadd.f32 v3, v0  }
0x21e: {  	v3 =	vld [tilespmem:s16+$0xFFFFFF10]  }
0x21f: {  	v0 =	vadd.f32 v1, v0  }
0x220: {  	v1 =	vld [tilespmem:s16+$0xFFFFFF90]  }
0x221: {  	v0 =	vadd.f32 v2, v0  }
0x222: {  	v2 =	vld [tilespmem:s16+$0x10]  }
0x223: {  	v0 =	vadd.f32 v3, v0  }
0x224: {  	v3 =	vld [tilespmem:s16+$0x90]  }
0x225: {  	v0 =	vadd.f32 v1, v0  }
0x226: {  	v4 =	vld [tilespmem:s16+$0x110]  }
0x227: {  	v0 =	vadd.f32 v2, v0  }
0x228: {  	v1 =	vld [tilespmem:s16+$0x190]  }
0x229: {  	v2 =	vadd.f32 v3, v0  }
0x22a: {  	v0 =	vld [tilespmem:s16+$0x210]  }
0x22b: {  	s19 =	simm.s32 $0x200;
	v2 =	vadd.f32 v4, v2  }
.LBB2_7:
0x22c: {  	_ = 	snop  }
0x22d: {  	p0 =	sne.s32 s19, $0x1E00;
	s16 =	sadd.s32 $0x480, s16;
	s14 =	sadd.s32 $0x500, s14;
	v1 =	vadd.f32 v1, v2  }
0x22e: {  	s11 =	smov.u32 s19;
	s19 =	sadd.s32 $0x200, s19  }
0x22f: {  	v0 =	vadd.f32 v0, v1;
	_ =	sdelay $0x1  }
0x230: {  	[tilespmem:s17+$0x17030] =	vst v0  }
0x231: {  	v0 =	vld [tilespmem:s14+$0xFFFFFE00]  }
0x232: {  	v1 =	vld [tilespmem:s14+$0xFFFFFD80];
	_ =	sdelay $0x1  }
0x233: {  	v2 =	vld [tilespmem:s14+$0xFFFFFE80];
	_ =	sdelay $0x1  }
0x234: {  	v3 =	vld [tilespmem:s14+$0xFFFFFF00]  }
0x235: {  	v0 =	vadd.f32 v0, v1  }
0x236: {  	v1 =	vld [tilespmem:s14+$0xFFFFFF80]  }
0x237: {  	v0 =	vadd.f32 v2, v0  }
0x238: {  	v2 =	vld [tilespmem:s14+$0x0]  }
0x239: {  	v0 =	vadd.f32 v3, v0  }
0x23a: {  	v3 =	vld [tilespmem:s14+$0x80]  }
0x23b: {  	v0 =	vadd.f32 v1, v0  }
0x23c: {  	v1 =	vld [tilespmem:s14+$0x100]  }
0x23d: {  	v0 =	vadd.f32 v2, v0  }
0x23e: {  	v2 =	vld [tilespmem:s14+$0x180]  }
0x23f: {  	v0 =	vadd.f32 v3, v0  }
0x240: {  	v3 =	vld [tilespmem:s14+$0x200]  }
0x241: {  	v0 =	vadd.f32 v1, v0  }
0x242: {  	v1 =	vld [tilespmem:s16+$0xFFFFFDE0]  }
0x243: {  	v0 =	vadd.f32 v2, v0  }
0x244: {  	v2 =	vld [tilespmem:s16+$0xFFFFFE60]  }
0x245: {  	v0 =	vadd.f32 v3, v0  }
0x246: {  	v3 =	vld [tilespmem:s16+$0xFFFFFEE0]  }
0x247: {  	v0 =	vadd.f32 v1, v0  }
0x248: {  	v1 =	vld [tilespmem:s16+$0xFFFFFF60]  }
0x249: {  	v0 =	vadd.f32 v2, v0  }
0x24a: {  	v2 =	vld [tilespmem:s16+$0xFFFFFFE0]  }
0x24b: {  	v0 =	vadd.f32 v3, v0  }
0x24c: {  	v3 =	vld [tilespmem:s16+$0x60]  }
0x24d: {  	v0 =	vadd.f32 v1, v0  }
0x24e: {  	v1 =	vld [tilespmem:s16+$0xE0]  }
0x24f: {  	v0 =	vadd.f32 v2, v0  }
0x250: {  	v2 =	vld [tilespmem:s16+$0x160]  }
0x251: {  	v0 =	vadd.f32 v3, v0  }
0x252: {  	v3 =	vld [tilespmem:s16+$0x1E0]  }
0x253: {  	v0 =	vadd.f32 v1, v0;
	_ =	sdelay $0x1  }
0x254: {  	v0 =	vadd.f32 v2, v0;
	_ =	sdelay $0x1  }
0x255: {  	v0 =	vadd.f32 v3, v0  }
0x256: {  	s17 =	sshra.s32 s11, $0x2  }
0x257: {  	[tilespmem:s17+$0x17000] =	vst v0  }
0x258: {  	v0 =	vld [tilespmem:s14+$0xFFFFFD90]  }
0x259: {  	v1 =	vld [tilespmem:s14+$0xFFFFFE10];
	_ =	sdelay $0x1  }
0x25a: {  	v2 =	vld [tilespmem:s14+$0xFFFFFE90];
	_ =	sdelay $0x1  }
0x25b: {  	v3 =	vld [tilespmem:s14+$0xFFFFFF10]  }
0x25c: {  	v0 =	vadd.f32 v1, v0  }
0x25d: {  	v1 =	vld [tilespmem:s14+$0xFFFFFF90]  }
0x25e: {  	v0 =	vadd.f32 v2, v0  }
0x25f: {  	v2 =	vld [tilespmem:s14+$0x10]  }
0x260: {  	v0 =	vadd.f32 v3, v0  }
0x261: {  	v3 =	vld [tilespmem:s14+$0x90]  }
0x262: {  	v0 =	vadd.f32 v1, v0  }
0x263: {  	v1 =	vld [tilespmem:s14+$0x110]  }
0x264: {  	v0 =	vadd.f32 v2, v0  }
0x265: {  	v2 =	vld [tilespmem:s14+$0x190]  }
0x266: {  	v0 =	vadd.f32 v3, v0  }
0x267: {  	v3 =	vld [tilespmem:s14+$0x210]  }
0x268: {  	v0 =	vadd.f32 v1, v0  }
0x269: {  	v1 =	vld [tilespmem:s16+$0xFFFFFDF0]  }
0x26a: {  	v0 =	vadd.f32 v2, v0  }
0x26b: {  	v2 =	vld [tilespmem:s16+$0xFFFFFE70]  }
0x26c: {  	v0 =	vadd.f32 v3, v0  }
0x26d: {  	v3 =	vld [tilespmem:s16+$0xFFFFFEF0]  }
0x26e: {  	v0 =	vadd.f32 v1, v0  }
0x26f: {  	v1 =	vld [tilespmem:s16+$0xFFFFFF70]  }
0x270: {  	v0 =	vadd.f32 v2, v0  }
0x271: {  	v2 =	vld [tilespmem:s16+$0xFFFFFFF0]  }
0x272: {  	v0 =	vadd.f32 v3, v0  }
0x273: {  	v3 =	vld [tilespmem:s16+$0x70]  }
0x274: {  	v0 =	vadd.f32 v1, v0  }
0x275: {  	v1 =	vld [tilespmem:s16+$0xF0]  }
0x276: {  	v0 =	vadd.f32 v2, v0  }
0x277: {  	v2 =	vld [tilespmem:s16+$0x170]  }
0x278: {  	v0 =	vadd.f32 v3, v0  }
0x279: {  	v3 =	vld [tilespmem:s16+$0x1F0]  }
0x27a: {  	v0 =	vadd.f32 v1, v0;
	_ =	sdelay $0x1  }
0x27b: {  	v0 =	vadd.f32 v2, v0;
	_ =	sdelay $0x1  }
0x27c: {  	v0 =	vadd.f32 v3, v0;
	_ =	sdelay $0x1  }
0x27d: {  	[tilespmem:s17+$0x17010] =	vst v0  }
0x27e: {  	v0 =	vld [tilespmem:s14+$0xFFFFFDA0]  }
0x27f: {  	v1 =	vld [tilespmem:s14+$0xFFFFFE20];
	_ =	sdelay $0x1  }
0x280: {  	v2 =	vld [tilespmem:s14+$0xFFFFFEA0];
	_ =	sdelay $0x1  }
0x281: {  	v3 =	vld [tilespmem:s14+$0xFFFFFF20]  }
0x282: {  	v0 =	vadd.f32 v1, v0  }
0x283: {  	v1 =	vld [tilespmem:s14+$0xFFFFFFA0]  }
0x284: {  	v0 =	vadd.f32 v2, v0  }
0x285: {  	v2 =	vld [tilespmem:s14+$0x20]  }
0x286: {  	v0 =	vadd.f32 v3, v0  }
0x287: {  	v3 =	vld [tilespmem:s14+$0xA0]  }
0x288: {  	v0 =	vadd.f32 v1, v0  }
0x289: {  	v1 =	vld [tilespmem:s14+$0x120]  }
0x28a: {  	v0 =	vadd.f32 v2, v0  }
0x28b: {  	v2 =	vld [tilespmem:s14+$0x1A0]  }
0x28c: {  	v0 =	vadd.f32 v3, v0  }
0x28d: {  	v3 =	vld [tilespmem:s14+$0x220]  }
0x28e: {  	v0 =	vadd.f32 v1, v0  }
0x28f: {  	v1 =	vld [tilespmem:s16+$0xFFFFFE00]  }
0x290: {  	v0 =	vadd.f32 v2, v0  }
0x291: {  	v2 =	vld [tilespmem:s16+$0xFFFFFE80]  }
0x292: {  	v0 =	vadd.f32 v3, v0  }
0x293: {  	v3 =	vld [tilespmem:s16+$0xFFFFFF00]  }
0x294: {  	v0 =	vadd.f32 v1, v0  }
0x295: {  	v1 =	vld [tilespmem:s16+$0xFFFFFF80]  }
0x296: {  	v0 =	vadd.f32 v2, v0  }
0x297: {  	v2 =	vld [tilespmem:s16+$0x0]  }
0x298: {  	v0 =	vadd.f32 v3, v0  }
0x299: {  	v3 =	vld [tilespmem:s16+$0x80]  }
0x29a: {  	v0 =	vadd.f32 v1, v0  }
0x29b: {  	v1 =	vld [tilespmem:s16+$0x100]  }
0x29c: {  	v0 =	vadd.f32 v2, v0  }
0x29d: {  	v2 =	vld [tilespmem:s16+$0x180]  }
0x29e: {  	v0 =	vadd.f32 v3, v0  }
0x29f: {  	v3 =	vld [tilespmem:s16+$0x200]  }
0x2a0: {  	v0 =	vadd.f32 v1, v0;
	_ =	sdelay $0x1  }
0x2a1: {  	v0 =	vadd.f32 v2, v0;
	_ =	sdelay $0x1  }
0x2a2: {  	v0 =	vadd.f32 v3, v0;
	_ =	sdelay $0x1  }
0x2a3: {  	[tilespmem:s17+$0x17020] =	vst v0  }
0x2a4: {  	v0 =	vld [tilespmem:s14+$0xFFFFFDB0]  }
0x2a5: {  	v1 =	vld [tilespmem:s14+$0xFFFFFE30]  }
0x2a6: {  	v2 =	vld [tilespmem:s14+$0xFFFFFEB0]  }
0x2a7: {  	v3 =	vld [tilespmem:s14+$0xFFFFFF30]  }
0x2a8: {  	v4 =	vld [tilespmem:s14+$0xFFFFFFB0]  }
0x2a9: {  	v5 =	vld [tilespmem:s14+$0x30]  }
0x2aa: {  	v0 =	vadd.f32 v1, v0;
	v1 =	vld [tilespmem:s14+$0xB0]  }
0x2ab: {  	v6 =	vld [tilespmem:s14+$0x130]  }
0x2ac: {  	v0 =	vadd.f32 v2, v0;
	v2 =	vld [tilespmem:s14+$0x1B0]  }
0x2ad: {  	v7 =	vld [tilespmem:s14+$0x230]  }
0x2ae: {  	v0 =	vadd.f32 v3, v0;
	v3 =	vld [tilespmem:s16+$0xFFFFFE10]  }
0x2af: {  	v8 =	vld [tilespmem:s16+$0xFFFFFE90]  }
0x2b0: {  	v0 =	vadd.f32 v4, v0;
	v4 =	vld [tilespmem:s16+$0xFFFFFF10]  }
0x2b1: {  	v9 =	vld [tilespmem:s16+$0xFFFFFF90]  }
0x2b2: {  	v0 =	vadd.f32 v5, v0;
	v5 =	vld [tilespmem:s16+$0x10]  }
0x2b3: {  	v10 =	vld [tilespmem:s16+$0x90]  }
0x2b4: {  	v0 =	vadd.f32 v1, v0;
	v11 =	vld [tilespmem:s16+$0x110]  }
0x2b5: {  	v1 =	vld [tilespmem:s16+$0x190]  }
0x2b6: {  	v6 =	vadd.f32 v6, v0;
	v0 =	vld [tilespmem:s16+$0x210];
	_ =	sdelay $0x1  }
0x2b7: {  	v2 =	vadd.f32 v2, v6;
	_ =	sdelay $0x1  }
0x2b8: {  	v2 =	vadd.f32 v7, v2;
	_ =	sdelay $0x1  }
0x2b9: {  	v2 =	vadd.f32 v3, v2;
	_ =	sdelay $0x1  }
0x2ba: {  	v2 =	vadd.f32 v8, v2;
	_ =	sdelay $0x1  }
0x2bb: {  	v2 =	vadd.f32 v4, v2;
	_ =	sdelay $0x1  }
0x2bc: {  	v2 =	vadd.f32 v9, v2;
	_ =	sdelay $0x1  }
.Ltmp2:
0x2bd: {  	v2 =	vadd.f32 v5, v2;
	(pc) =	sbr.rel @p0 .LBB2_7-.Ltmp2, $3  }
0x2be: {  	_ = 	snop  }
0x2bf: {  	v2 =	vadd.f32 v10, v2;
	_ =	sdelay $0x1  }
0x2c0: {  	v2 =	vadd.f32 v11, v2  }
0x2c1: {  	s0 =	sadd.s32 $0x1, s0  }
0x2c2: {  	v1 =	vadd.f32 v1, v2;
	p0 =	sne.s32 s0, $0x10  }
.Ltmp3:
0x2c3: {  	_ = 	snop;
	(pc) =	sbr.rel @p0 .LBB2_4-.Ltmp3, $4  }
0x2c4: {  	v0 =	vadd.f32 v0, v1  }
0x2c5: {  	s11 =	sshll.u32 s12, $0x8  }
0x2c6: {  	s11 =	sadd.s32 s11, s8;
	[tilespmem:s17+$0x17030] =	vst v0  }
0x2c7: {  	[hbm4b:s11+s4] =	stream.linear.scatter [tilespmem:s29], [sflag:$0x4], $0x800, $0x38;
	[tilespmem:$0x17800] =	vst v63  }
0x2c8: {  	s2 =	sadd.s32 $0x1, s2  }
0x2c9: {  	_ =	swait.ge [sflag:s30], $0x800;
	p0 =	sne.s32 s2, s9  }
.Ltmp4:
0x2ca: {  	[sflag:s30] =	ssyncset.done $0x0;
	(pc) =	sbr.rel @p0 .LBB2_1-.Ltmp4, $4  }
0x2cb: {  	[sflag:s30] =	ssyncadd.s32 $0xFFFFF800  }
0x2cc: {  	_ =	swait.ge [sflag:s31], $0x800  }
0x2cd: {  	[sflag:s31] =	ssyncset.done $0x0  }
0x2ce: {  	s14 =	simm.s32 $0x1400;
	[sflag:s31] =	ssyncadd.s32 $0xFFFFF800  }
0x2cf: {  	_ =	sfence.sel $0x180000  }
0x2d0: {  	[bflag:$0x0] =	sbarrier.arrive $0xFFFF  }
0x2d1: {  	_ =	strace $0x90000047  }
0x2d2: {  	s0 =	stileid.u32;
	[bflag:$0x2] =	sbarrier.arrive $0xFFFF  }
0x2d3: {  	p0 =	sne.s32 s0, $0x0;
	s0 =	rddreg [dreg:$0x6]  }
0x2d4: {  	s0 =	sadd.s32 @!p0 $0x100000, s0  }
0x2d5: {  	[sflag:s0] =	ssyncadd.tile.s32 @!p0 $0x1;
	_ =	shalt  }
.Lfunc_end2:
_tile_overlayer_lowered:
.L_overlay_start_2:
0x2d6: {  	(tag) =	ssettag $0x2  }
0x2d7: {  	s0 =	rddreg [dreg:$0x0];
	s2 =	stileid.u32  }
0x2d8: {  	s1 =	rddreg [dreg:$0x1];
	p0 =	sne.s32 s2, $0x0  }
0x2d9: {  	s3 =	rddreg [dreg:$0x2];
	[bflag:$0x3] =	sbarrier.arrive $0xFFFF;
	s2 =	simm.s32 @!p0 $0x1C05  }
0x2da: {  	[timem:s3], [sflag:s2] =	dma.local @!p0 [hbm:s0], s1  }
0x2db: {  	s0 =	simm.s32 @!p0 $0x5  }
0x2dc: {  	_ =	swait.ge @!p0 [sflag:s0], s1  }
0x2dd: {  	s1 =	ssub.s32 @!p0 $0x0, s1;
	[sflag:s0] =	ssyncset.done @!p0 $0x0  }
0x2de: {  	[sflag:s0] =	ssyncadd.s32 @!p0 s1  }
0x2df: {  	[bflag:$0x3] =	sbarrier.arrive $0xFFFF  }
0x2e0: {  	_ =	shalt  }

</sc_bundles>
